<compile_context>
chip_gen: v7x
topology: tpu7x:2x2x1
jax: 0.10.2.dev20260603
libtpu: 0.0.44.dev20260713+nightly
codegen_flags: <defaults>
</compile_context>

<pallas_src>
import functools

import jax
import jax.numpy as jnp
from jax import lax
from jax.experimental import pallas as pl
from jax.experimental.pallas import tpu as pltpu
from jax.experimental.pallas import tpu_sc as plsc

B, L, D = 8, 512, 256
F, K, M = 256, 3, 4096
BL = B * L
PAD_ROWS = 128
TCH = 512

NC, NS = 2, 16
NW = NC * NS
ROWS_PER_W = (B * M) // NW
CH = 128
NCHUNK = ROWS_PER_W // CH


def _ln_relu(h, g, bb):
    mu = jnp.mean(h, axis=-1, keepdims=True)
    var = jnp.mean((h - mu) ** 2, axis=-1, keepdims=True)
    hn = (h - mu) * lax.rsqrt(var + 1e-5) * g + bb
    return jnp.maximum(hn, 0.0)


def _conv3(h, w_ref, bias):
    y0 = jnp.dot(h, w_ref[0], preferred_element_type=jnp.float32)
    y1 = jnp.dot(h, w_ref[1], preferred_element_type=jnp.float32)
    y2 = jnp.dot(h, w_ref[2], preferred_element_type=jnp.float32)
    z = jnp.zeros((1, y0.shape[1]), jnp.float32)
    return (jnp.concatenate([z, y0[:-1]], axis=0)
            + y1
            + jnp.concatenate([y2[1:], z], axis=0)
            + bias)


def _tc_body(x_ref, w1_ref, b1_ref, g1_ref, bb1_ref, w2_ref, b2_ref,
             g2_ref, bb2_ref, lw_ref, lb_ref, tgt_ref,
             dur_ref, idx_ref):
    b = pl.program_id(0)
    xb = x_ref[0]

    h = _conv3(xb, w1_ref, b1_ref[...])
    h = _ln_relu(h, g1_ref[...], bb1_ref[...])
    h = _conv3(h, w2_ref, b2_ref[...])
    h = _ln_relu(h, g2_ref[...], bb2_ref[...])
    dur = jnp.maximum(
        jnp.dot(h, lw_ref[...], preferred_element_type=jnp.float32)
        + lb_ref[...], 0.0)
    dur_ref[0] = dur

    tgt = tgt_ref[0].astype(jnp.float32)
    ik = lax.broadcasted_iota(jnp.int32, (L, L), 0)
    ij = lax.broadcasted_iota(jnp.int32, (L, L), 1)
    lower_tri = (ik <= ij).astype(jnp.float32)
    csum = jnp.dot(tgt, lower_tri, preferred_element_type=jnp.float32)
    total = csum[:, L - 1:L]
    base = b * L
    for m in range(M // TCH):
        t_int = lax.broadcasted_iota(jnp.int32, (TCH, 1), 0) + (m * TCH)
        t_col = t_int.astype(jnp.float32)
        cmp = (csum <= t_col).astype(jnp.float32)
        j = jnp.sum(cmp, axis=1, keepdims=True)
        sentinel = BL + (t_int & (PAD_ROWS - 1))
        idxc = jnp.where(t_col < total, j.astype(jnp.int32) + base, sentinel)
        idx_ref[0, pl.ds(m * TCH, TCH), :] = idxc


def _predictor_and_indices(x, conv1_w, conv1_b, ln1_g, ln1_b, conv2_w,
                           conv2_b, ln2_g, ln2_b, lin_w, lin_b, target):
    row = lambda v: v.reshape(1, -1)
    dur3, idx3 = pl.pallas_call(
        _tc_body,
        grid=(B,),
        in_specs=[
            pl.BlockSpec((1, L, D), lambda b: (b, 0, 0)),
            pl.BlockSpec((K, D, F), lambda b: (0, 0, 0)),
            pl.BlockSpec((1, F), lambda b: (0, 0)),
            pl.BlockSpec((1, F), lambda b: (0, 0)),
            pl.BlockSpec((1, F), lambda b: (0, 0)),
            pl.BlockSpec((K, F, F), lambda b: (0, 0, 0)),
            pl.BlockSpec((1, F), lambda b: (0, 0)),
            pl.BlockSpec((1, F), lambda b: (0, 0)),
            pl.BlockSpec((1, F), lambda b: (0, 0)),
            pl.BlockSpec((F, 1), lambda b: (0, 0)),
            pl.BlockSpec((1, 1), lambda b: (0, 0)),
            pl.BlockSpec((1, 1, L), lambda b: (b, 0, 0)),
        ],
        out_specs=[
            pl.BlockSpec((1, L, 1), lambda b: (b, 0, 0)),
            pl.BlockSpec((1, M, 1), lambda b: (b, 0, 0)),
        ],
        out_shape=[
            jax.ShapeDtypeStruct((B, L, 1), jnp.float32),
            jax.ShapeDtypeStruct((B, M, 1), jnp.int32),
        ],
    )(x, conv1_w, row(conv1_b), row(ln1_g), row(ln1_b), conv2_w,
      row(conv2_b), row(ln2_g), row(ln2_b), lin_w, lin_b.reshape(1, 1),
      target.reshape(B, 1, L))
    return dur3.reshape(B, L), idx3.reshape(B * M)


NBUF = 3


def _sc_gather_body(table_hbm, idx_hbm, out_hbm, *refs):
    idx_refs = refs[:NCHUNK]
    bufs = refs[NCHUNK:NCHUNK + NBUF]
    gsems = refs[NCHUNK + NBUF:NCHUNK + 2 * NBUF]
    ssems = refs[NCHUNK + 2 * NBUF:NCHUNK + 3 * NBUF]
    wid = lax.axis_index("s") * NC + lax.axis_index("c")
    base = wid * ROWS_PER_W
    for c in range(NCHUNK):
        pltpu.sync_copy(idx_hbm.at[wid, c], idx_refs[c])
    gcp = [None] * NCHUNK
    scp = [None] * NCHUNK
    for c in range(min(2, NCHUNK)):
        gcp[c] = pltpu.async_copy(
            table_hbm.at[idx_refs[c]], bufs[c % NBUF], gsems[c % NBUF])
    for c in range(NCHUNK):
        gcp[c].wait()
        scp[c] = pltpu.async_copy(
            bufs[c % NBUF], out_hbm.at[pl.ds(base + c * CH, CH)],
            ssems[c % NBUF])
        nxt = c + 2
        if nxt < NCHUNK:
            if c >= 1:
                scp[c - 1].wait()
            gcp[nxt] = pltpu.async_copy(
                table_hbm.at[idx_refs[nxt]], bufs[nxt % NBUF],
                gsems[nxt % NBUF])
    scp[NCHUNK - 2].wait()
    scp[NCHUNK - 1].wait()


@functools.lru_cache(maxsize=1)
def _sc_gather():
    return functools.partial(
        pl.kernel,
        mesh=plsc.VectorSubcoreMesh(
            core_axis_name="c", subcore_axis_name="s", num_cores=NC),
        out_type=jax.ShapeDtypeStruct((B * M, 2, 128), jnp.float32),
        scratch_types=(
            [pltpu.VMEM((CH,), jnp.int32) for _ in range(NCHUNK)]
            + [pltpu.VMEM((CH, 2, 128), jnp.float32) for _ in range(NBUF)]
            + [pltpu.SemaphoreType.DMA for _ in range(2 * NBUF)]
        ),
    )(_sc_gather_body)


def kernel(x, conv1_w, conv1_b, ln1_g, ln1_b, conv2_w, conv2_b, ln2_g, ln2_b,
           lin_w, lin_b, target, mel_max_length):
    del mel_max_length
    dur_pred, idx = _predictor_and_indices(
        x, conv1_w, conv1_b, ln1_g, ln1_b, conv2_w, conv2_b, ln2_g, ln2_b,
        lin_w, lin_b, target)
    table = jnp.concatenate(
        [x.reshape(BL, D), jnp.zeros((PAD_ROWS, D), jnp.float32)],
        axis=0).reshape(BL + PAD_ROWS, 2, 128)
    out = _sc_gather()(table, idx.reshape(NW, NCHUNK, CH))
    return (out.reshape(B, M, D), dur_pred)

# --- scband reference (transcript-rebuilt; emitter-appended) ---
"""Pipeline reference for scband-length-regulator-70394513981840 (READ-ONLY COPY).

The authoritative reference and input builder live on the scoring server;
editing this copy changes nothing except your own understanding.
"""

import jax, jax.numpy as jnp
import numpy as np

B, L, D = 8, 512, 256
F, K, M = 256, 3, 4096


def setup_inputs(seed: int = 0) -> dict:
    key = jax.random.key(seed)
    ks = jax.random.split(key, 12)
    s = 0.02
    return {
        "x": jax.random.normal(ks[0], (B, L, D), dtype=jnp.float32),
        "conv1_w": jax.random.normal(ks[1], (K, D, F), dtype=jnp.float32) * s,
        "conv1_b": jnp.zeros((F,), dtype=jnp.float32),
        "ln1_g": jnp.ones((F,), dtype=jnp.float32),
        "ln1_b": jnp.zeros((F,), dtype=jnp.float32),
        "conv2_w": jax.random.normal(ks[2], (K, F, F), dtype=jnp.float32) * s,
        "conv2_b": jnp.zeros((F,), dtype=jnp.float32),
        "ln2_g": jnp.ones((F,), dtype=jnp.float32),
        "ln2_b": jnp.zeros((F,), dtype=jnp.float32),
        "lin_w": jax.random.normal(ks[3], (F, 1), dtype=jnp.float32) * s,
        "lin_b": jnp.zeros((1,), dtype=jnp.float32),
        "target": jax.random.randint(ks[4], (B, L), 0, 8, dtype=jnp.int32),
        "mel_max_length": M,
    }


def _conv1d_same(h, w, b):
    # h: [B, T, Cin], w: [K, Cin, Cout] with K=3, 'same' padding
    k = w.shape[0]
    p = (k - 1) // 2
    hp = jnp.pad(h, ((0, 0), (p, p), (0, 0)))
    T = h.shape[1]
    out = b
    for i in range(k):
        out = out + hp[:, i:i + T, :] @ w[i]
    return out


def _layer_norm(h, g, b, eps=1e-5):
    mu = jnp.mean(h, axis=-1, keepdims=True)
    var = jnp.mean((h - mu) ** 2, axis=-1, keepdims=True)
    return (h - mu) / jnp.sqrt(var + eps) * g + b


def _duration_predictor(x, conv1_w, conv1_b, ln1_g, ln1_b, conv2_w, conv2_b, ln2_g, ln2_b, lin_w, lin_b):
    h = _conv1d_same(x, conv1_w, conv1_b)
    h = jax.nn.relu(_layer_norm(h, ln1_g, ln1_b))
    h = _conv1d_same(h, conv2_w, conv2_b)
    h = jax.nn.relu(_layer_norm(h, ln2_g, ln2_b))
    out = jax.nn.relu(h @ lin_w + lin_b)
    return out[..., 0]  # [B, L]


def _lr(x, dur, mel_max_length):
    # Equivalent to create_alignment: alignment[b, t, j] = 1 iff
    # cumsum(dur)[b, j-1] <= t < cumsum(dur)[b, j]; padded to mel_max_length.
    dur = dur.astype(jnp.int32)
    csum = jnp.cumsum(dur, axis=1)          # [B, L]
    csum_prev = csum - dur                  # [B, L]
    t = jnp.arange(M, dtype=jnp.int32)[None, :, None]  # [1, M, 1]
    align = jnp.logical_and(t >= csum_prev[:, None, :], t < csum[:, None, :])  # [B, M, L]
    align = jnp.logical_and(align, t < jnp.asarray(mel_max_length, dtype=jnp.int32)).astype(x.dtype)
    return jnp.matmul(align, x)             # [B, M, D]


def reference(x, conv1_w, conv1_b, ln1_g, ln1_b, conv2_w, conv2_b, ln2_g, ln2_b, lin_w, lin_b, target, mel_max_length):
    dur_pred = _duration_predictor(x, conv1_w, conv1_b, ln1_g, ln1_b, conv2_w, conv2_b, ln2_g, ln2_b, lin_w, lin_b)
    output = _lr(x, target, mel_max_length)
    return (output, dur_pred)

if __name__ == "__main__":
    import jax
    _d = setup_inputs()
    print(jax.jit(kernel)(*tuple(_d.values())))

</pallas_src>

<mosaic_0001>
#map = affine_map<(d0, d1) -> (0, 0, 0)>
module attributes {stable_mosaic.version = 14 : i64} {
  func.func @_sc_gather_body(%arg0: i32, %arg1: i32, %arg2: memref<4224x2x128xf32, #tpu.memory_space<hbm>>, %arg3: memref<32x8x128xi32, #tpu.memory_space<hbm>>, %arg4: memref<32768x2x128xf32, #tpu.memory_space<hbm>>, %arg5: memref<128xi32, #tpu.memory_space<vmem>>, %arg6: memref<128xi32, #tpu.memory_space<vmem>>, %arg7: memref<128xi32, #tpu.memory_space<vmem>>, %arg8: memref<128xi32, #tpu.memory_space<vmem>>, %arg9: memref<128xi32, #tpu.memory_space<vmem>>, %arg10: memref<128xi32, #tpu.memory_space<vmem>>, %arg11: memref<128xi32, #tpu.memory_space<vmem>>, %arg12: memref<128xi32, #tpu.memory_space<vmem>>, %arg13: memref<128x2x128xf32, #tpu.memory_space<vmem>>, %arg14: memref<128x2x128xf32, #tpu.memory_space<vmem>>, %arg15: memref<128x2x128xf32, #tpu.memory_space<vmem>>, %arg16: memref<!tpu.dma_semaphore, #tpu.memory_space<semaphore_mem>>, %arg17: memref<!tpu.dma_semaphore, #tpu.memory_space<semaphore_mem>>, %arg18: memref<!tpu.dma_semaphore, #tpu.memory_space<semaphore_mem>>, %arg19: memref<!tpu.dma_semaphore, #tpu.memory_space<semaphore_mem>>, %arg20: memref<!tpu.dma_semaphore, #tpu.memory_space<semaphore_mem>>, %arg21: memref<!tpu.dma_semaphore, #tpu.memory_space<semaphore_mem>>) attributes {dimension_semantics = [#tpu.dimension_semantics<core_parallel>, #tpu.dimension_semantics<subcore_parallel>], iteration_bounds = array<i64: 2, 16>, scalar_prefetch = 0 : i64, scratch_operands = 17 : i64, tpu.core_type = #tpu.core_type<sc_vector_subcore>, window_params = [{transform_indices = #map}, {transform_indices = #map}, {transform_indices = #map}]} {
    %mul3A = arith.constant 2 : i32
    %mul3A_0 = arith.muli %arg1, %mul3A : i32
    %add3A = arith.addi %mul3A_0, %arg0 : i32
    %mul3A_1 = arith.constant 1024 : i32
    %mul3A_2 = arith.muli %add3A, %mul3A_1 : i32
    %run_scoped3A = arith.constant 0 : i32
    "tpu.region"() ({
      %run_scoped3A_178 = tpu.sem_alloc : memref<!tpu.dma_semaphore, #tpu.memory_space<semaphore_mem>>
      %dma_start3A_179 = arith.constant 0 : i32
      %dma_start3A_180 = tpu.memref_slice %arg3[%add3A, %run_scoped3A, %dma_start3A_179] : memref<32x8x128xi32, #tpu.memory_space<hbm>> -> memref<1x1x128xi32, #tpu.memory_space<hbm>>
      %dma_start3A_181 = tpu.memref_squeeze %dma_start3A_180 : memref<1x1x128xi32, #tpu.memory_space<hbm>> -> memref<128xi32, #tpu.memory_space<hbm>>
      %dma_start3A_182 = arith.constant 0 : i32
      %dma_start3A_183 = tpu.memref_slice %arg3[%add3A, %run_scoped3A, %dma_start3A_182] : memref<32x8x128xi32, #tpu.memory_space<hbm>> -> memref<1x1x128xi32, #tpu.memory_space<hbm>>
      %dma_start3A_184 = tpu.memref_squeeze %dma_start3A_183 : memref<1x1x128xi32, #tpu.memory_space<hbm>> -> memref<128xi32, #tpu.memory_space<hbm>>
      tpu.enqueue_dma source(%dma_start3A_184 : memref<128xi32, #tpu.memory_space<hbm>>) target(%arg5 : memref<128xi32, #tpu.memory_space<vmem>>) target_semaphore(%run_scoped3A_178 : memref<!tpu.dma_semaphore, #tpu.memory_space<semaphore_mem>>)
      %dma_wait3A_185 = arith.constant 0 : i32
      %dma_wait3A_186 = tpu.memref_slice %arg3[%add3A, %run_scoped3A, %dma_wait3A_185] : memref<32x8x128xi32, #tpu.memory_space<hbm>> -> memref<1x1x128xi32, #tpu.memory_space<hbm>>
      %dma_wait3A_187 = tpu.memref_squeeze %dma_wait3A_186 : memref<1x1x128xi32, #tpu.memory_space<hbm>> -> memref<128xi32, #tpu.memory_space<hbm>>
      %dma_wait3A_188 = arith.constant 0 : i32
      %dma_wait3A_189 = tpu.memref_slice %arg3[%add3A, %run_scoped3A, %dma_wait3A_188] : memref<32x8x128xi32, #tpu.memory_space<hbm>> -> memref<1x1x128xi32, #tpu.memory_space<hbm>>
      %dma_wait3A_190 = tpu.memref_squeeze %dma_wait3A_189 : memref<1x1x128xi32, #tpu.memory_space<hbm>> -> memref<128xi32, #tpu.memory_space<hbm>>
      tpu.wait_dma2 semaphore(%run_scoped3A_178 : memref<!tpu.dma_semaphore, #tpu.memory_space<semaphore_mem>>) src(%dma_wait3A_190 : memref<128xi32, #tpu.memory_space<hbm>>) dst(%arg5 : memref<128xi32, #tpu.memory_space<vmem>>)
      tpu.yield
    }) : () -> ()
    %run_scoped3A_3 = arith.constant 1 : i32
    "tpu.region"() ({
      %run_scoped3A_178 = tpu.sem_alloc : memref<!tpu.dma_semaphore, #tpu.memory_space<semaphore_mem>>
      %dma_start3A_179 = arith.constant 0 : i32
      %dma_start3A_180 = tpu.memref_slice %arg3[%add3A, %run_scoped3A_3, %dma_start3A_179] : memref<32x8x128xi32, #tpu.memory_space<hbm>> -> memref<1x1x128xi32, #tpu.memory_space<hbm>>
      %dma_start3A_181 = tpu.memref_squeeze %dma_start3A_180 : memref<1x1x128xi32, #tpu.memory_space<hbm>> -> memref<128xi32, #tpu.memory_space<hbm>>
      %dma_start3A_182 = arith.constant 0 : i32
      %dma_start3A_183 = tpu.memref_slice %arg3[%add3A, %run_scoped3A_3, %dma_start3A_182] : memref<32x8x128xi32, #tpu.memory_space<hbm>> -> memref<1x1x128xi32, #tpu.memory_space<hbm>>
      %dma_start3A_184 = tpu.memref_squeeze %dma_start3A_183 : memref<1x1x128xi32, #tpu.memory_space<hbm>> -> memref<128xi32, #tpu.memory_space<hbm>>
      tpu.enqueue_dma source(%dma_start3A_184 : memref<128xi32, #tpu.memory_space<hbm>>) target(%arg6 : memref<128xi32, #tpu.memory_space<vmem>>) target_semaphore(%run_scoped3A_178 : memref<!tpu.dma_semaphore, #tpu.memory_space<semaphore_mem>>)
      %dma_wait3A_185 = arith.constant 0 : i32
      %dma_wait3A_186 = tpu.memref_slice %arg3[%add3A, %run_scoped3A_3, %dma_wait3A_185] : memref<32x8x128xi32, #tpu.memory_space<hbm>> -> memref<1x1x128xi32, #tpu.memory_space<hbm>>
      %dma_wait3A_187 = tpu.memref_squeeze %dma_wait3A_186 : memref<1x1x128xi32, #tpu.memory_space<hbm>> -> memref<128xi32, #tpu.memory_space<hbm>>
      %dma_wait3A_188 = arith.constant 0 : i32
      %dma_wait3A_189 = tpu.memref_slice %arg3[%add3A, %run_scoped3A_3, %dma_wait3A_188] : memref<32x8x128xi32, #tpu.memory_space<hbm>> -> memref<1x1x128xi32, #tpu.memory_space<hbm>>
      %dma_wait3A_190 = tpu.memref_squeeze %dma_wait3A_189 : memref<1x1x128xi32, #tpu.memory_space<hbm>> -> memref<128xi32, #tpu.memory_space<hbm>>
      tpu.wait_dma2 semaphore(%run_scoped3A_178 : memref<!tpu.dma_semaphore, #tpu.memory_space<semaphore_mem>>) src(%dma_wait3A_190 : memref<128xi32, #tpu.memory_space<hbm>>) dst(%arg6 : memref<128xi32, #tpu.memory_space<vmem>>)
      tpu.yield
    }) : () -> ()
    %run_scoped3A_4 = arith.constant 2 : i32
    "tpu.region"() ({
      %run_scoped3A_178 = tpu.sem_alloc : memref<!tpu.dma_semaphore, #tpu.memory_space<semaphore_mem>>
      %dma_start3A_179 = arith.constant 0 : i32
      %dma_start3A_180 = tpu.memref_slice %arg3[%add3A, %run_scoped3A_4, %dma_start3A_179] : memref<32x8x128xi32, #tpu.memory_space<hbm>> -> memref<1x1x128xi32, #tpu.memory_space<hbm>>
      %dma_start3A_181 = tpu.memref_squeeze %dma_start3A_180 : memref<1x1x128xi32, #tpu.memory_space<hbm>> -> memref<128xi32, #tpu.memory_space<hbm>>
      %dma_start3A_182 = arith.constant 0 : i32
      %dma_start3A_183 = tpu.memref_slice %arg3[%add3A, %run_scoped3A_4, %dma_start3A_182] : memref<32x8x128xi32, #tpu.memory_space<hbm>> -> memref<1x1x128xi32, #tpu.memory_space<hbm>>
      %dma_start3A_184 = tpu.memref_squeeze %dma_start3A_183 : memref<1x1x128xi32, #tpu.memory_space<hbm>> -> memref<128xi32, #tpu.memory_space<hbm>>
      tpu.enqueue_dma source(%dma_start3A_184 : memref<128xi32, #tpu.memory_space<hbm>>) target(%arg7 : memref<128xi32, #tpu.memory_space<vmem>>) target_semaphore(%run_scoped3A_178 : memref<!tpu.dma_semaphore, #tpu.memory_space<semaphore_mem>>)
      %dma_wait3A_185 = arith.constant 0 : i32
      %dma_wait3A_186 = tpu.memref_slice %arg3[%add3A, %run_scoped3A_4, %dma_wait3A_185] : memref<32x8x128xi32, #tpu.memory_space<hbm>> -> memref<1x1x128xi32, #tpu.memory_space<hbm>>
      %dma_wait3A_187 = tpu.memref_squeeze %dma_wait3A_186 : memref<1x1x128xi32, #tpu.memory_space<hbm>> -> memref<128xi32, #tpu.memory_space<hbm>>
      %dma_wait3A_188 = arith.constant 0 : i32
      %dma_wait3A_189 = tpu.memref_slice %arg3[%add3A, %run_scoped3A_4, %dma_wait3A_188] : memref<32x8x128xi32, #tpu.memory_space<hbm>> -> memref<1x1x128xi32, #tpu.memory_space<hbm>>
      %dma_wait3A_190 = tpu.memref_squeeze %dma_wait3A_189 : memref<1x1x128xi32, #tpu.memory_space<hbm>> -> memref<128xi32, #tpu.memory_space<hbm>>
      tpu.wait_dma2 semaphore(%run_scoped3A_178 : memref<!tpu.dma_semaphore, #tpu.memory_space<semaphore_mem>>) src(%dma_wait3A_190 : memref<128xi32, #tpu.memory_space<hbm>>) dst(%arg7 : memref<128xi32, #tpu.memory_space<vmem>>)
      tpu.yield
    }) : () -> ()
    %run_scoped3A_5 = arith.constant 3 : i32
    "tpu.region"() ({
      %run_scoped3A_178 = tpu.sem_alloc : memref<!tpu.dma_semaphore, #tpu.memory_space<semaphore_mem>>
      %dma_start3A_179 = arith.constant 0 : i32
      %dma_start3A_180 = tpu.memref_slice %arg3[%add3A, %run_scoped3A_5, %dma_start3A_179] : memref<32x8x128xi32, #tpu.memory_space<hbm>> -> memref<1x1x128xi32, #tpu.memory_space<hbm>>
      %dma_start3A_181 = tpu.memref_squeeze %dma_start3A_180 : memref<1x1x128xi32, #tpu.memory_space<hbm>> -> memref<128xi32, #tpu.memory_space<hbm>>
      %dma_start3A_182 = arith.constant 0 : i32
      %dma_start3A_183 = tpu.memref_slice %arg3[%add3A, %run_scoped3A_5, %dma_start3A_182] : memref<32x8x128xi32, #tpu.memory_space<hbm>> -> memref<1x1x128xi32, #tpu.memory_space<hbm>>
      %dma_start3A_184 = tpu.memref_squeeze %dma_start3A_183 : memref<1x1x128xi32, #tpu.memory_space<hbm>> -> memref<128xi32, #tpu.memory_space<hbm>>
      tpu.enqueue_dma source(%dma_start3A_184 : memref<128xi32, #tpu.memory_space<hbm>>) target(%arg8 : memref<128xi32, #tpu.memory_space<vmem>>) target_semaphore(%run_scoped3A_178 : memref<!tpu.dma_semaphore, #tpu.memory_space<semaphore_mem>>)
      %dma_wait3A_185 = arith.constant 0 : i32
      %dma_wait3A_186 = tpu.memref_slice %arg3[%add3A, %run_scoped3A_5, %dma_wait3A_185] : memref<32x8x128xi32, #tpu.memory_space<hbm>> -> memref<1x1x128xi32, #tpu.memory_space<hbm>>
      %dma_wait3A_187 = tpu.memref_squeeze %dma_wait3A_186 : memref<1x1x128xi32, #tpu.memory_space<hbm>> -> memref<128xi32, #tpu.memory_space<hbm>>
      %dma_wait3A_188 = arith.constant 0 : i32
      %dma_wait3A_189 = tpu.memref_slice %arg3[%add3A, %run_scoped3A_5, %dma_wait3A_188] : memref<32x8x128xi32, #tpu.memory_space<hbm>> -> memref<1x1x128xi32, #tpu.memory_space<hbm>>
      %dma_wait3A_190 = tpu.memref_squeeze %dma_wait3A_189 : memref<1x1x128xi32, #tpu.memory_space<hbm>> -> memref<128xi32, #tpu.memory_space<hbm>>
      tpu.wait_dma2 semaphore(%run_scoped3A_178 : memref<!tpu.dma_semaphore, #tpu.memory_space<semaphore_mem>>) src(%dma_wait3A_190 : memref<128xi32, #tpu.memory_space<hbm>>) dst(%arg8 : memref<128xi32, #tpu.memory_space<vmem>>)
      tpu.yield
    }) : () -> ()
    %run_scoped3A_6 = arith.constant 4 : i32
    "tpu.region"() ({
      %run_scoped3A_178 = tpu.sem_alloc : memref<!tpu.dma_semaphore, #tpu.memory_space<semaphore_mem>>
      %dma_start3A_179 = arith.constant 0 : i32
      %dma_start3A_180 = tpu.memref_slice %arg3[%add3A, %run_scoped3A_6, %dma_start3A_179] : memref<32x8x128xi32, #tpu.memory_space<hbm>> -> memref<1x1x128xi32, #tpu.memory_space<hbm>>
      %dma_start3A_181 = tpu.memref_squeeze %dma_start3A_180 : memref<1x1x128xi32, #tpu.memory_space<hbm>> -> memref<128xi32, #tpu.memory_space<hbm>>
      %dma_start3A_182 = arith.constant 0 : i32
      %dma_start3A_183 = tpu.memref_slice %arg3[%add3A, %run_scoped3A_6, %dma_start3A_182] : memref<32x8x128xi32, #tpu.memory_space<hbm>> -> memref<1x1x128xi32, #tpu.memory_space<hbm>>
      %dma_start3A_184 = tpu.memref_squeeze %dma_start3A_183 : memref<1x1x128xi32, #tpu.memory_space<hbm>> -> memref<128xi32, #tpu.memory_space<hbm>>
      tpu.enqueue_dma source(%dma_start3A_184 : memref<128xi32, #tpu.memory_space<hbm>>) target(%arg9 : memref<128xi32, #tpu.memory_space<vmem>>) target_semaphore(%run_scoped3A_178 : memref<!tpu.dma_semaphore, #tpu.memory_space<semaphore_mem>>)
      %dma_wait3A_185 = arith.constant 0 : i32
      %dma_wait3A_186 = tpu.memref_slice %arg3[%add3A, %run_scoped3A_6, %dma_wait3A_185] : memref<32x8x128xi32, #tpu.memory_space<hbm>> -> memref<1x1x128xi32, #tpu.memory_space<hbm>>
      %dma_wait3A_187 = tpu.memref_squeeze %dma_wait3A_186 : memref<1x1x128xi32, #tpu.memory_space<hbm>> -> memref<128xi32, #tpu.memory_space<hbm>>
      %dma_wait3A_188 = arith.constant 0 : i32
      %dma_wait3A_189 = tpu.memref_slice %arg3[%add3A, %run_scoped3A_6, %dma_wait3A_188] : memref<32x8x128xi32, #tpu.memory_space<hbm>> -> memref<1x1x128xi32, #tpu.memory_space<hbm>>
      %dma_wait3A_190 = tpu.memref_squeeze %dma_wait3A_189 : memref<1x1x128xi32, #tpu.memory_space<hbm>> -> memref<128xi32, #tpu.memory_space<hbm>>
      tpu.wait_dma2 semaphore(%run_scoped3A_178 : memref<!tpu.dma_semaphore, #tpu.memory_space<semaphore_mem>>) src(%dma_wait3A_190 : memref<128xi32, #tpu.memory_space<hbm>>) dst(%arg9 : memref<128xi32, #tpu.memory_space<vmem>>)
      tpu.yield
    }) : () -> ()
    %run_scoped3A_7 = arith.constant 5 : i32
    "tpu.region"() ({
      %run_scoped3A_178 = tpu.sem_alloc : memref<!tpu.dma_semaphore, #tpu.memory_space<semaphore_mem>>
      %dma_start3A_179 = arith.constant 0 : i32
      %dma_start3A_180 = tpu.memref_slice %arg3[%add3A, %run_scoped3A_7, %dma_start3A_179] : memref<32x8x128xi32, #tpu.memory_space<hbm>> -> memref<1x1x128xi32, #tpu.memory_space<hbm>>
      %dma_start3A_181 = tpu.memref_squeeze %dma_start3A_180 : memref<1x1x128xi32, #tpu.memory_space<hbm>> -> memref<128xi32, #tpu.memory_space<hbm>>
      %dma_start3A_182 = arith.constant 0 : i32
      %dma_start3A_183 = tpu.memref_slice %arg3[%add3A, %run_scoped3A_7, %dma_start3A_182] : memref<32x8x128xi32, #tpu.memory_space<hbm>> -> memref<1x1x128xi32, #tpu.memory_space<hbm>>
      %dma_start3A_184 = tpu.memref_squeeze %dma_start3A_183 : memref<1x1x128xi32, #tpu.memory_space<hbm>> -> memref<128xi32, #tpu.memory_space<hbm>>
      tpu.enqueue_dma source(%dma_start3A_184 : memref<128xi32, #tpu.memory_space<hbm>>) target(%arg10 : memref<128xi32, #tpu.memory_space<vmem>>) target_semaphore(%run_scoped3A_178 : memref<!tpu.dma_semaphore, #tpu.memory_space<semaphore_mem>>)
      %dma_wait3A_185 = arith.constant 0 : i32
      %dma_wait3A_186 = tpu.memref_slice %arg3[%add3A, %run_scoped3A_7, %dma_wait3A_185] : memref<32x8x128xi32, #tpu.memory_space<hbm>> -> memref<1x1x128xi32, #tpu.memory_space<hbm>>
      %dma_wait3A_187 = tpu.memref_squeeze %dma_wait3A_186 : memref<1x1x128xi32, #tpu.memory_space<hbm>> -> memref<128xi32, #tpu.memory_space<hbm>>
      %dma_wait3A_188 = arith.constant 0 : i32
      %dma_wait3A_189 = tpu.memref_slice %arg3[%add3A, %run_scoped3A_7, %dma_wait3A_188] : memref<32x8x128xi32, #tpu.memory_space<hbm>> -> memref<1x1x128xi32, #tpu.memory_space<hbm>>
      %dma_wait3A_190 = tpu.memref_squeeze %dma_wait3A_189 : memref<1x1x128xi32, #tpu.memory_space<hbm>> -> memref<128xi32, #tpu.memory_space<hbm>>
      tpu.wait_dma2 semaphore(%run_scoped3A_178 : memref<!tpu.dma_semaphore, #tpu.memory_space<semaphore_mem>>) src(%dma_wait3A_190 : memref<128xi32, #tpu.memory_space<hbm>>) dst(%arg10 : memref<128xi32, #tpu.memory_space<vmem>>)
      tpu.yield
    }) : () -> ()
    %run_scoped3A_8 = arith.constant 6 : i32
    "tpu.region"() ({
      %run_scoped3A_178 = tpu.sem_alloc : memref<!tpu.dma_semaphore, #tpu.memory_space<semaphore_mem>>
      %dma_start3A_179 = arith.constant 0 : i32
      %dma_start3A_180 = tpu.memref_slice %arg3[%add3A, %run_scoped3A_8, %dma_start3A_179] : memref<32x8x128xi32, #tpu.memory_space<hbm>> -> memref<1x1x128xi32, #tpu.memory_space<hbm>>
      %dma_start3A_181 = tpu.memref_squeeze %dma_start3A_180 : memref<1x1x128xi32, #tpu.memory_space<hbm>> -> memref<128xi32, #tpu.memory_space<hbm>>
      %dma_start3A_182 = arith.constant 0 : i32
      %dma_start3A_183 = tpu.memref_slice %arg3[%add3A, %run_scoped3A_8, %dma_start3A_182] : memref<32x8x128xi32, #tpu.memory_space<hbm>> -> memref<1x1x128xi32, #tpu.memory_space<hbm>>
      %dma_start3A_184 = tpu.memref_squeeze %dma_start3A_183 : memref<1x1x128xi32, #tpu.memory_space<hbm>> -> memref<128xi32, #tpu.memory_space<hbm>>
      tpu.enqueue_dma source(%dma_start3A_184 : memref<128xi32, #tpu.memory_space<hbm>>) target(%arg11 : memref<128xi32, #tpu.memory_space<vmem>>) target_semaphore(%run_scoped3A_178 : memref<!tpu.dma_semaphore, #tpu.memory_space<semaphore_mem>>)
      %dma_wait3A_185 = arith.constant 0 : i32
      %dma_wait3A_186 = tpu.memref_slice %arg3[%add3A, %run_scoped3A_8, %dma_wait3A_185] : memref<32x8x128xi32, #tpu.memory_space<hbm>> -> memref<1x1x128xi32, #tpu.memory_space<hbm>>
      %dma_wait3A_187 = tpu.memref_squeeze %dma_wait3A_186 : memref<1x1x128xi32, #tpu.memory_space<hbm>> -> memref<128xi32, #tpu.memory_space<hbm>>
      %dma_wait3A_188 = arith.constant 0 : i32
      %dma_wait3A_189 = tpu.memref_slice %arg3[%add3A, %run_scoped3A_8, %dma_wait3A_188] : memref<32x8x128xi32, #tpu.memory_space<hbm>> -> memref<1x1x128xi32, #tpu.memory_space<hbm>>
      %dma_wait3A_190 = tpu.memref_squeeze %dma_wait3A_189 : memref<1x1x128xi32, #tpu.memory_space<hbm>> -> memref<128xi32, #tpu.memory_space<hbm>>
      tpu.wait_dma2 semaphore(%run_scoped3A_178 : memref<!tpu.dma_semaphore, #tpu.memory_space<semaphore_mem>>) src(%dma_wait3A_190 : memref<128xi32, #tpu.memory_space<hbm>>) dst(%arg11 : memref<128xi32, #tpu.memory_space<vmem>>)
      tpu.yield
    }) : () -> ()
    %run_scoped3A_9 = arith.constant 7 : i32
    "tpu.region"() ({
      %run_scoped3A_178 = tpu.sem_alloc : memref<!tpu.dma_semaphore, #tpu.memory_space<semaphore_mem>>
      %dma_start3A_179 = arith.constant 0 : i32
      %dma_start3A_180 = tpu.memref_slice %arg3[%add3A, %run_scoped3A_9, %dma_start3A_179] : memref<32x8x128xi32, #tpu.memory_space<hbm>> -> memref<1x1x128xi32, #tpu.memory_space<hbm>>
      %dma_start3A_181 = tpu.memref_squeeze %dma_start3A_180 : memref<1x1x128xi32, #tpu.memory_space<hbm>> -> memref<128xi32, #tpu.memory_space<hbm>>
      %dma_start3A_182 = arith.constant 0 : i32
      %dma_start3A_183 = tpu.memref_slice %arg3[%add3A, %run_scoped3A_9, %dma_start3A_182] : memref<32x8x128xi32, #tpu.memory_space<hbm>> -> memref<1x1x128xi32, #tpu.memory_space<hbm>>
      %dma_start3A_184 = tpu.memref_squeeze %dma_start3A_183 : memref<1x1x128xi32, #tpu.memory_space<hbm>> -> memref<128xi32, #tpu.memory_space<hbm>>
      tpu.enqueue_dma source(%dma_start3A_184 : memref<128xi32, #tpu.memory_space<hbm>>) target(%arg12 : memref<128xi32, #tpu.memory_space<vmem>>) target_semaphore(%run_scoped3A_178 : memref<!tpu.dma_semaphore, #tpu.memory_space<semaphore_mem>>)
      %dma_wait3A_185 = arith.constant 0 : i32
      %dma_wait3A_186 = tpu.memref_slice %arg3[%add3A, %run_scoped3A_9, %dma_wait3A_185] : memref<32x8x128xi32, #tpu.memory_space<hbm>> -> memref<1x1x128xi32, #tpu.memory_space<hbm>>
      %dma_wait3A_187 = tpu.memref_squeeze %dma_wait3A_186 : memref<1x1x128xi32, #tpu.memory_space<hbm>> -> memref<128xi32, #tpu.memory_space<hbm>>
      %dma_wait3A_188 = arith.constant 0 : i32
      %dma_wait3A_189 = tpu.memref_slice %arg3[%add3A, %run_scoped3A_9, %dma_wait3A_188] : memref<32x8x128xi32, #tpu.memory_space<hbm>> -> memref<1x1x128xi32, #tpu.memory_space<hbm>>
      %dma_wait3A_190 = tpu.memref_squeeze %dma_wait3A_189 : memref<1x1x128xi32, #tpu.memory_space<hbm>> -> memref<128xi32, #tpu.memory_space<hbm>>
      tpu.wait_dma2 semaphore(%run_scoped3A_178 : memref<!tpu.dma_semaphore, #tpu.memory_space<semaphore_mem>>) src(%dma_wait3A_190 : memref<128xi32, #tpu.memory_space<hbm>>) dst(%arg12 : memref<128xi32, #tpu.memory_space<vmem>>)
      tpu.yield
    }) : () -> ()
    %dma_start3A = arith.constant 0 : i32
    %dma_start3A_10 = arith.constant 0 : i32
    %dma_start3A_11 = arith.constant 0 : i32
    %dma_start3A_12 = tpu.memref_slice %arg2[%dma_start3A, %dma_start3A_10, %dma_start3A_11] : memref<4224x2x128xf32, #tpu.memory_space<hbm>> -> memref<4224x2x128xf32, #tpu.memory_space<hbm>>
    tpu.enqueue_indirect_dma source(%dma_start3A_12 : memref<4224x2x128xf32, #tpu.memory_space<hbm>>) target(%arg13 : memref<128x2x128xf32, #tpu.memory_space<vmem>>) offsets(%arg5 : memref<128xi32, #tpu.memory_space<vmem>>) semaphore(%arg16 : memref<!tpu.dma_semaphore, #tpu.memory_space<semaphore_mem>>)
    %dma_start3A_13 = arith.constant 0 : i32
    %dma_start3A_14 = arith.constant 0 : i32
    %dma_start3A_15 = arith.constant 0 : i32
    %dma_start3A_16 = tpu.memref_slice %arg2[%dma_start3A_13, %dma_start3A_14, %dma_start3A_15] : memref<4224x2x128xf32, #tpu.memory_space<hbm>> -> memref<4224x2x128xf32, #tpu.memory_space<hbm>>
    tpu.enqueue_indirect_dma source(%dma_start3A_16 : memref<4224x2x128xf32, #tpu.memory_space<hbm>>) target(%arg14 : memref<128x2x128xf32, #tpu.memory_space<vmem>>) offsets(%arg6 : memref<128xi32, #tpu.memory_space<vmem>>) semaphore(%arg17 : memref<!tpu.dma_semaphore, #tpu.memory_space<semaphore_mem>>)
    %dma_wait3A = arith.constant 0 : i32
    %dma_wait3A_17 = arith.constant 0 : i32
    %dma_wait3A_18 = arith.constant 0 : i32
    %dma_wait3A_19 = tpu.memref_slice %arg2[%dma_wait3A, %dma_wait3A_17, %dma_wait3A_18] : memref<4224x2x128xf32, #tpu.memory_space<hbm>> -> memref<4224x2x128xf32, #tpu.memory_space<hbm>>
    tpu.wait_indirect_dma semaphore(%arg16 : memref<!tpu.dma_semaphore, #tpu.memory_space<semaphore_mem>>) src(%dma_wait3A_19 : memref<4224x2x128xf32, #tpu.memory_space<hbm>>) dst(%arg13 : memref<128x2x128xf32, #tpu.memory_space<vmem>>)
    %add3A_20 = arith.constant 0 : i32
    %add3A_21 = arith.addi %mul3A_2, %add3A_20 : i32
    %dma_start3A_22 = arith.constant 0 : i32
    %dma_start3A_23 = arith.constant 0 : i32
    %dma_start3A_24 = tpu.memref_slice %arg4[%add3A_21, %dma_start3A_22, %dma_start3A_23] : memref<32768x2x128xf32, #tpu.memory_space<hbm>> -> memref<128x2x128xf32, #tpu.memory_space<hbm>>
    %dma_start3A_25 = arith.constant 0 : i32
    %dma_start3A_26 = arith.constant 0 : i32
    %dma_start3A_27 = tpu.memref_slice %arg4[%add3A_21, %dma_start3A_25, %dma_start3A_26] : memref<32768x2x128xf32, #tpu.memory_space<hbm>> -> memref<128x2x128xf32, #tpu.memory_space<hbm>>
    tpu.enqueue_dma source(%arg13 : memref<128x2x128xf32, #tpu.memory_space<vmem>>) target(%dma_start3A_27 : memref<128x2x128xf32, #tpu.memory_space<hbm>>) target_semaphore(%arg19 : memref<!tpu.dma_semaphore, #tpu.memory_space<semaphore_mem>>)
    %dma_start3A_28 = arith.constant 0 : i32
    %dma_start3A_29 = arith.constant 0 : i32
    %dma_start3A_30 = arith.constant 0 : i32
    %dma_start3A_31 = tpu.memref_slice %arg2[%dma_start3A_28, %dma_start3A_29, %dma_start3A_30] : memref<4224x2x128xf32, #tpu.memory_space<hbm>> -> memref<4224x2x128xf32, #tpu.memory_space<hbm>>
    tpu.enqueue_indirect_dma source(%dma_start3A_31 : memref<4224x2x128xf32, #tpu.memory_space<hbm>>) target(%arg15 : memref<128x2x128xf32, #tpu.memory_space<vmem>>) offsets(%arg7 : memref<128xi32, #tpu.memory_space<vmem>>) semaphore(%arg18 : memref<!tpu.dma_semaphore, #tpu.memory_space<semaphore_mem>>)
    %dma_wait3A_32 = arith.constant 0 : i32
    %dma_wait3A_33 = arith.constant 0 : i32
    %dma_wait3A_34 = arith.constant 0 : i32
    %dma_wait3A_35 = tpu.memref_slice %arg2[%dma_wait3A_32, %dma_wait3A_33, %dma_wait3A_34] : memref<4224x2x128xf32, #tpu.memory_space<hbm>> -> memref<4224x2x128xf32, #tpu.memory_space<hbm>>
    tpu.wait_indirect_dma semaphore(%arg17 : memref<!tpu.dma_semaphore, #tpu.memory_space<semaphore_mem>>) src(%dma_wait3A_35 : memref<4224x2x128xf32, #tpu.memory_space<hbm>>) dst(%arg14 : memref<128x2x128xf32, #tpu.memory_space<vmem>>)
    %add3A_36 = arith.constant 128 : i32
    %add3A_37 = arith.addi %mul3A_2, %add3A_36 : i32
    %dma_start3A_38 = arith.constant 0 : i32
    %dma_start3A_39 = arith.constant 0 : i32
    %dma_start3A_40 = tpu.memref_slice %arg4[%add3A_37, %dma_start3A_38, %dma_start3A_39] : memref<32768x2x128xf32, #tpu.memory_space<hbm>> -> memref<128x2x128xf32, #tpu.memory_space<hbm>>
    %dma_start3A_41 = arith.constant 0 : i32
    %dma_start3A_42 = arith.constant 0 : i32
    %dma_start3A_43 = tpu.memref_slice %arg4[%add3A_37, %dma_start3A_41, %dma_start3A_42] : memref<32768x2x128xf32, #tpu.memory_space<hbm>> -> memref<128x2x128xf32, #tpu.memory_space<hbm>>
    tpu.enqueue_dma source(%arg14 : memref<128x2x128xf32, #tpu.memory_space<vmem>>) target(%dma_start3A_43 : memref<128x2x128xf32, #tpu.memory_space<hbm>>) target_semaphore(%arg20 : memref<!tpu.dma_semaphore, #tpu.memory_space<semaphore_mem>>)
    %dma_wait3A_44 = arith.constant 0 : i32
    %dma_wait3A_45 = arith.constant 0 : i32
    %dma_wait3A_46 = tpu.memref_slice %arg4[%add3A_21, %dma_wait3A_44, %dma_wait3A_45] : memref<32768x2x128xf32, #tpu.memory_space<hbm>> -> memref<128x2x128xf32, #tpu.memory_space<hbm>>
    %dma_wait3A_47 = arith.constant 0 : i32
    %dma_wait3A_48 = arith.constant 0 : i32
    %dma_wait3A_49 = tpu.memref_slice %arg4[%add3A_21, %dma_wait3A_47, %dma_wait3A_48] : memref<32768x2x128xf32, #tpu.memory_space<hbm>> -> memref<128x2x128xf32, #tpu.memory_space<hbm>>
    tpu.wait_dma2 semaphore(%arg19 : memref<!tpu.dma_semaphore, #tpu.memory_space<semaphore_mem>>) src(%arg13 : memref<128x2x128xf32, #tpu.memory_space<vmem>>) dst(%dma_wait3A_49 : memref<128x2x128xf32, #tpu.memory_space<hbm>>)
    %dma_start3A_50 = arith.constant 0 : i32
    %dma_start3A_51 = arith.constant 0 : i32
    %dma_start3A_52 = arith.constant 0 : i32
    %dma_start3A_53 = tpu.memref_slice %arg2[%dma_start3A_50, %dma_start3A_51, %dma_start3A_52] : memref<4224x2x128xf32, #tpu.memory_space<hbm>> -> memref<4224x2x128xf32, #tpu.memory_space<hbm>>
    tpu.enqueue_indirect_dma source(%dma_start3A_53 : memref<4224x2x128xf32, #tpu.memory_space<hbm>>) target(%arg13 : memref<128x2x128xf32, #tpu.memory_space<vmem>>) offsets(%arg8 : memref<128xi32, #tpu.memory_space<vmem>>) semaphore(%arg16 : memref<!tpu.dma_semaphore, #tpu.memory_space<semaphore_mem>>)
    %dma_wait3A_54 = arith.constant 0 : i32
    %dma_wait3A_55 = arith.constant 0 : i32
    %dma_wait3A_56 = arith.constant 0 : i32
    %dma_wait3A_57 = tpu.memref_slice %arg2[%dma_wait3A_54, %dma_wait3A_55, %dma_wait3A_56] : memref<4224x2x128xf32, #tpu.memory_space<hbm>> -> memref<4224x2x128xf32, #tpu.memory_space<hbm>>
    tpu.wait_indirect_dma semaphore(%arg18 : memref<!tpu.dma_semaphore, #tpu.memory_space<semaphore_mem>>) src(%dma_wait3A_57 : memref<4224x2x128xf32, #tpu.memory_space<hbm>>) dst(%arg15 : memref<128x2x128xf32, #tpu.memory_space<vmem>>)
    %add3A_58 = arith.constant 256 : i32
    %add3A_59 = arith.addi %mul3A_2, %add3A_58 : i32
    %dma_start3A_60 = arith.constant 0 : i32
    %dma_start3A_61 = arith.constant 0 : i32
    %dma_start3A_62 = tpu.memref_slice %arg4[%add3A_59, %dma_start3A_60, %dma_start3A_61] : memref<32768x2x128xf32, #tpu.memory_space<hbm>> -> memref<128x2x128xf32, #tpu.memory_space<hbm>>
    %dma_start3A_63 = arith.constant 0 : i32
    %dma_start3A_64 = arith.constant 0 : i32
    %dma_start3A_65 = tpu.memref_slice %arg4[%add3A_59, %dma_start3A_63, %dma_start3A_64] : memref<32768x2x128xf32, #tpu.memory_space<hbm>> -> memref<128x2x128xf32, #tpu.memory_space<hbm>>
    tpu.enqueue_dma source(%arg15 : memref<128x2x128xf32, #tpu.memory_space<vmem>>) target(%dma_start3A_65 : memref<128x2x128xf32, #tpu.memory_space<hbm>>) target_semaphore(%arg21 : memref<!tpu.dma_semaphore, #tpu.memory_space<semaphore_mem>>)
    %dma_wait3A_66 = arith.constant 0 : i32
    %dma_wait3A_67 = arith.constant 0 : i32
    %dma_wait3A_68 = tpu.memref_slice %arg4[%add3A_37, %dma_wait3A_66, %dma_wait3A_67] : memref<32768x2x128xf32, #tpu.memory_space<hbm>> -> memref<128x2x128xf32, #tpu.memory_space<hbm>>
    %dma_wait3A_69 = arith.constant 0 : i32
    %dma_wait3A_70 = arith.constant 0 : i32
    %dma_wait3A_71 = tpu.memref_slice %arg4[%add3A_37, %dma_wait3A_69, %dma_wait3A_70] : memref<32768x2x128xf32, #tpu.memory_space<hbm>> -> memref<128x2x128xf32, #tpu.memory_space<hbm>>
    tpu.wait_dma2 semaphore(%arg20 : memref<!tpu.dma_semaphore, #tpu.memory_space<semaphore_mem>>) src(%arg14 : memref<128x2x128xf32, #tpu.memory_space<vmem>>) dst(%dma_wait3A_71 : memref<128x2x128xf32, #tpu.memory_space<hbm>>)
    %dma_start3A_72 = arith.constant 0 : i32
    %dma_start3A_73 = arith.constant 0 : i32
    %dma_start3A_74 = arith.constant 0 : i32
    %dma_start3A_75 = tpu.memref_slice %arg2[%dma_start3A_72, %dma_start3A_73, %dma_start3A_74] : memref<4224x2x128xf32, #tpu.memory_space<hbm>> -> memref<4224x2x128xf32, #tpu.memory_space<hbm>>
    tpu.enqueue_indirect_dma source(%dma_start3A_75 : memref<4224x2x128xf32, #tpu.memory_space<hbm>>) target(%arg14 : memref<128x2x128xf32, #tpu.memory_space<vmem>>) offsets(%arg9 : memref<128xi32, #tpu.memory_space<vmem>>) semaphore(%arg17 : memref<!tpu.dma_semaphore, #tpu.memory_space<semaphore_mem>>)
    %dma_wait3A_76 = arith.constant 0 : i32
    %dma_wait3A_77 = arith.constant 0 : i32
    %dma_wait3A_78 = arith.constant 0 : i32
    %dma_wait3A_79 = tpu.memref_slice %arg2[%dma_wait3A_76, %dma_wait3A_77, %dma_wait3A_78] : memref<4224x2x128xf32, #tpu.memory_space<hbm>> -> memref<4224x2x128xf32, #tpu.memory_space<hbm>>
    tpu.wait_indirect_dma semaphore(%arg16 : memref<!tpu.dma_semaphore, #tpu.memory_space<semaphore_mem>>) src(%dma_wait3A_79 : memref<4224x2x128xf32, #tpu.memory_space<hbm>>) dst(%arg13 : memref<128x2x128xf32, #tpu.memory_space<vmem>>)
    %add3A_80 = arith.constant 384 : i32
    %add3A_81 = arith.addi %mul3A_2, %add3A_80 : i32
    %dma_start3A_82 = arith.constant 0 : i32
    %dma_start3A_83 = arith.constant 0 : i32
    %dma_start3A_84 = tpu.memref_slice %arg4[%add3A_81, %dma_start3A_82, %dma_start3A_83] : memref<32768x2x128xf32, #tpu.memory_space<hbm>> -> memref<128x2x128xf32, #tpu.memory_space<hbm>>
    %dma_start3A_85 = arith.constant 0 : i32
    %dma_start3A_86 = arith.constant 0 : i32
    %dma_start3A_87 = tpu.memref_slice %arg4[%add3A_81, %dma_start3A_85, %dma_start3A_86] : memref<32768x2x128xf32, #tpu.memory_space<hbm>> -> memref<128x2x128xf32, #tpu.memory_space<hbm>>
    tpu.enqueue_dma source(%arg13 : memref<128x2x128xf32, #tpu.memory_space<vmem>>) target(%dma_start3A_87 : memref<128x2x128xf32, #tpu.memory_space<hbm>>) target_semaphore(%arg19 : memref<!tpu.dma_semaphore, #tpu.memory_space<semaphore_mem>>)
    %dma_wait3A_88 = arith.constant 0 : i32
    %dma_wait3A_89 = arith.constant 0 : i32
    %dma_wait3A_90 = tpu.memref_slice %arg4[%add3A_59, %dma_wait3A_88, %dma_wait3A_89] : memref<32768x2x128xf32, #tpu.memory_space<hbm>> -> memref<128x2x128xf32, #tpu.memory_space<hbm>>
    %dma_wait3A_91 = arith.constant 0 : i32
    %dma_wait3A_92 = arith.constant 0 : i32
    %dma_wait3A_93 = tpu.memref_slice %arg4[%add3A_59, %dma_wait3A_91, %dma_wait3A_92] : memref<32768x2x128xf32, #tpu.memory_space<hbm>> -> memref<128x2x128xf32, #tpu.memory_space<hbm>>
    tpu.wait_dma2 semaphore(%arg21 : memref<!tpu.dma_semaphore, #tpu.memory_space<semaphore_mem>>) src(%arg15 : memref<128x2x128xf32, #tpu.memory_space<vmem>>) dst(%dma_wait3A_93 : memref<128x2x128xf32, #tpu.memory_space<hbm>>)
    %dma_start3A_94 = arith.constant 0 : i32
    %dma_start3A_95 = arith.constant 0 : i32
    %dma_start3A_96 = arith.constant 0 : i32
    %dma_start3A_97 = tpu.memref_slice %arg2[%dma_start3A_94, %dma_start3A_95, %dma_start3A_96] : memref<4224x2x128xf32, #tpu.memory_space<hbm>> -> memref<4224x2x128xf32, #tpu.memory_space<hbm>>
    tpu.enqueue_indirect_dma source(%dma_start3A_97 : memref<4224x2x128xf32, #tpu.memory_space<hbm>>) target(%arg15 : memref<128x2x128xf32, #tpu.memory_space<vmem>>) offsets(%arg10 : memref<128xi32, #tpu.memory_space<vmem>>) semaphore(%arg18 : memref<!tpu.dma_semaphore, #tpu.memory_space<semaphore_mem>>)
    %dma_wait3A_98 = arith.constant 0 : i32
    %dma_wait3A_99 = arith.constant 0 : i32
    %dma_wait3A_100 = arith.constant 0 : i32
    %dma_wait3A_101 = tpu.memref_slice %arg2[%dma_wait3A_98, %dma_wait3A_99, %dma_wait3A_100] : memref<4224x2x128xf32, #tpu.memory_space<hbm>> -> memref<4224x2x128xf32, #tpu.memory_space<hbm>>
    tpu.wait_indirect_dma semaphore(%arg17 : memref<!tpu.dma_semaphore, #tpu.memory_space<semaphore_mem>>) src(%dma_wait3A_101 : memref<4224x2x128xf32, #tpu.memory_space<hbm>>) dst(%arg14 : memref<128x2x128xf32, #tpu.memory_space<vmem>>)
    %add3A_102 = arith.constant 512 : i32
    %add3A_103 = arith.addi %mul3A_2, %add3A_102 : i32
    %dma_start3A_104 = arith.constant 0 : i32
    %dma_start3A_105 = arith.constant 0 : i32
    %dma_start3A_106 = tpu.memref_slice %arg4[%add3A_103, %dma_start3A_104, %dma_start3A_105] : memref<32768x2x128xf32, #tpu.memory_space<hbm>> -> memref<128x2x128xf32, #tpu.memory_space<hbm>>
    %dma_start3A_107 = arith.constant 0 : i32
    %dma_start3A_108 = arith.constant 0 : i32
    %dma_start3A_109 = tpu.memref_slice %arg4[%add3A_103, %dma_start3A_107, %dma_start3A_108] : memref<32768x2x128xf32, #tpu.memory_space<hbm>> -> memref<128x2x128xf32, #tpu.memory_space<hbm>>
    tpu.enqueue_dma source(%arg14 : memref<128x2x128xf32, #tpu.memory_space<vmem>>) target(%dma_start3A_109 : memref<128x2x128xf32, #tpu.memory_space<hbm>>) target_semaphore(%arg20 : memref<!tpu.dma_semaphore, #tpu.memory_space<semaphore_mem>>)
    %dma_wait3A_110 = arith.constant 0 : i32
    %dma_wait3A_111 = arith.constant 0 : i32
    %dma_wait3A_112 = tpu.memref_slice %arg4[%add3A_81, %dma_wait3A_110, %dma_wait3A_111] : memref<32768x2x128xf32, #tpu.memory_space<hbm>> -> memref<128x2x128xf32, #tpu.memory_space<hbm>>
    %dma_wait3A_113 = arith.constant 0 : i32
    %dma_wait3A_114 = arith.constant 0 : i32
    %dma_wait3A_115 = tpu.memref_slice %arg4[%add3A_81, %dma_wait3A_113, %dma_wait3A_114] : memref<32768x2x128xf32, #tpu.memory_space<hbm>> -> memref<128x2x128xf32, #tpu.memory_space<hbm>>
    tpu.wait_dma2 semaphore(%arg19 : memref<!tpu.dma_semaphore, #tpu.memory_space<semaphore_mem>>) src(%arg13 : memref<128x2x128xf32, #tpu.memory_space<vmem>>) dst(%dma_wait3A_115 : memref<128x2x128xf32, #tpu.memory_space<hbm>>)
    %dma_start3A_116 = arith.constant 0 : i32
    %dma_start3A_117 = arith.constant 0 : i32
    %dma_start3A_118 = arith.constant 0 : i32
    %dma_start3A_119 = tpu.memref_slice %arg2[%dma_start3A_116, %dma_start3A_117, %dma_start3A_118] : memref<4224x2x128xf32, #tpu.memory_space<hbm>> -> memref<4224x2x128xf32, #tpu.memory_space<hbm>>
    tpu.enqueue_indirect_dma source(%dma_start3A_119 : memref<4224x2x128xf32, #tpu.memory_space<hbm>>) target(%arg13 : memref<128x2x128xf32, #tpu.memory_space<vmem>>) offsets(%arg11 : memref<128xi32, #tpu.memory_space<vmem>>) semaphore(%arg16 : memref<!tpu.dma_semaphore, #tpu.memory_space<semaphore_mem>>)
    %dma_wait3A_120 = arith.constant 0 : i32
    %dma_wait3A_121 = arith.constant 0 : i32
    %dma_wait3A_122 = arith.constant 0 : i32
    %dma_wait3A_123 = tpu.memref_slice %arg2[%dma_wait3A_120, %dma_wait3A_121, %dma_wait3A_122] : memref<4224x2x128xf32, #tpu.memory_space<hbm>> -> memref<4224x2x128xf32, #tpu.memory_space<hbm>>
    tpu.wait_indirect_dma semaphore(%arg18 : memref<!tpu.dma_semaphore, #tpu.memory_space<semaphore_mem>>) src(%dma_wait3A_123 : memref<4224x2x128xf32, #tpu.memory_space<hbm>>) dst(%arg15 : memref<128x2x128xf32, #tpu.memory_space<vmem>>)
    %add3A_124 = arith.constant 640 : i32
    %add3A_125 = arith.addi %mul3A_2, %add3A_124 : i32
    %dma_start3A_126 = arith.constant 0 : i32
    %dma_start3A_127 = arith.constant 0 : i32
    %dma_start3A_128 = tpu.memref_slice %arg4[%add3A_125, %dma_start3A_126, %dma_start3A_127] : memref<32768x2x128xf32, #tpu.memory_space<hbm>> -> memref<128x2x128xf32, #tpu.memory_space<hbm>>
    %dma_start3A_129 = arith.constant 0 : i32
    %dma_start3A_130 = arith.constant 0 : i32
    %dma_start3A_131 = tpu.memref_slice %arg4[%add3A_125, %dma_start3A_129, %dma_start3A_130] : memref<32768x2x128xf32, #tpu.memory_space<hbm>> -> memref<128x2x128xf32, #tpu.memory_space<hbm>>
    tpu.enqueue_dma source(%arg15 : memref<128x2x128xf32, #tpu.memory_space<vmem>>) target(%dma_start3A_131 : memref<128x2x128xf32, #tpu.memory_space<hbm>>) target_semaphore(%arg21 : memref<!tpu.dma_semaphore, #tpu.memory_space<semaphore_mem>>)
    %dma_wait3A_132 = arith.constant 0 : i32
    %dma_wait3A_133 = arith.constant 0 : i32
    %dma_wait3A_134 = tpu.memref_slice %arg4[%add3A_103, %dma_wait3A_132, %dma_wait3A_133] : memref<32768x2x128xf32, #tpu.memory_space<hbm>> -> memref<128x2x128xf32, #tpu.memory_space<hbm>>
    %dma_wait3A_135 = arith.constant 0 : i32
    %dma_wait3A_136 = arith.constant 0 : i32
    %dma_wait3A_137 = tpu.memref_slice %arg4[%add3A_103, %dma_wait3A_135, %dma_wait3A_136] : memref<32768x2x128xf32, #tpu.memory_space<hbm>> -> memref<128x2x128xf32, #tpu.memory_space<hbm>>
    tpu.wait_dma2 semaphore(%arg20 : memref<!tpu.dma_semaphore, #tpu.memory_space<semaphore_mem>>) src(%arg14 : memref<128x2x128xf32, #tpu.memory_space<vmem>>) dst(%dma_wait3A_137 : memref<128x2x128xf32, #tpu.memory_space<hbm>>)
    %dma_start3A_138 = arith.constant 0 : i32
    %dma_start3A_139 = arith.constant 0 : i32
    %dma_start3A_140 = arith.constant 0 : i32
    %dma_start3A_141 = tpu.memref_slice %arg2[%dma_start3A_138, %dma_start3A_139, %dma_start3A_140] : memref<4224x2x128xf32, #tpu.memory_space<hbm>> -> memref<4224x2x128xf32, #tpu.memory_space<hbm>>
    tpu.enqueue_indirect_dma source(%dma_start3A_141 : memref<4224x2x128xf32, #tpu.memory_space<hbm>>) target(%arg14 : memref<128x2x128xf32, #tpu.memory_space<vmem>>) offsets(%arg12 : memref<128xi32, #tpu.memory_space<vmem>>) semaphore(%arg17 : memref<!tpu.dma_semaphore, #tpu.memory_space<semaphore_mem>>)
    %dma_wait3A_142 = arith.constant 0 : i32
    %dma_wait3A_143 = arith.constant 0 : i32
    %dma_wait3A_144 = arith.constant 0 : i32
    %dma_wait3A_145 = tpu.memref_slice %arg2[%dma_wait3A_142, %dma_wait3A_143, %dma_wait3A_144] : memref<4224x2x128xf32, #tpu.memory_space<hbm>> -> memref<4224x2x128xf32, #tpu.memory_space<hbm>>
    tpu.wait_indirect_dma semaphore(%arg16 : memref<!tpu.dma_semaphore, #tpu.memory_space<semaphore_mem>>) src(%dma_wait3A_145 : memref<4224x2x128xf32, #tpu.memory_space<hbm>>) dst(%arg13 : memref<128x2x128xf32, #tpu.memory_space<vmem>>)
    %add3A_146 = arith.constant 768 : i32
    %add3A_147 = arith.addi %mul3A_2, %add3A_146 : i32
    %dma_start3A_148 = arith.constant 0 : i32
    %dma_start3A_149 = arith.constant 0 : i32
    %dma_start3A_150 = tpu.memref_slice %arg4[%add3A_147, %dma_start3A_148, %dma_start3A_149] : memref<32768x2x128xf32, #tpu.memory_space<hbm>> -> memref<128x2x128xf32, #tpu.memory_space<hbm>>
    %dma_start3A_151 = arith.constant 0 : i32
    %dma_start3A_152 = arith.constant 0 : i32
    %dma_start3A_153 = tpu.memref_slice %arg4[%add3A_147, %dma_start3A_151, %dma_start3A_152] : memref<32768x2x128xf32, #tpu.memory_space<hbm>> -> memref<128x2x128xf32, #tpu.memory_space<hbm>>
    tpu.enqueue_dma source(%arg13 : memref<128x2x128xf32, #tpu.memory_space<vmem>>) target(%dma_start3A_153 : memref<128x2x128xf32, #tpu.memory_space<hbm>>) target_semaphore(%arg19 : memref<!tpu.dma_semaphore, #tpu.memory_space<semaphore_mem>>)
    %dma_wait3A_154 = arith.constant 0 : i32
    %dma_wait3A_155 = arith.constant 0 : i32
    %dma_wait3A_156 = arith.constant 0 : i32
    %dma_wait3A_157 = tpu.memref_slice %arg2[%dma_wait3A_154, %dma_wait3A_155, %dma_wait3A_156] : memref<4224x2x128xf32, #tpu.memory_space<hbm>> -> memref<4224x2x128xf32, #tpu.memory_space<hbm>>
    tpu.wait_indirect_dma semaphore(%arg17 : memref<!tpu.dma_semaphore, #tpu.memory_space<semaphore_mem>>) src(%dma_wait3A_157 : memref<4224x2x128xf32, #tpu.memory_space<hbm>>) dst(%arg14 : memref<128x2x128xf32, #tpu.memory_space<vmem>>)
    %add3A_158 = arith.constant 896 : i32
    %add3A_159 = arith.addi %mul3A_2, %add3A_158 : i32
    %dma_start3A_160 = arith.constant 0 : i32
    %dma_start3A_161 = arith.constant 0 : i32
    %dma_start3A_162 = tpu.memref_slice %arg4[%add3A_159, %dma_start3A_160, %dma_start3A_161] : memref<32768x2x128xf32, #tpu.memory_space<hbm>> -> memref<128x2x128xf32, #tpu.memory_space<hbm>>
    %dma_start3A_163 = arith.constant 0 : i32
    %dma_start3A_164 = arith.constant 0 : i32
    %dma_start3A_165 = tpu.memref_slice %arg4[%add3A_159, %dma_start3A_163, %dma_start3A_164] : memref<32768x2x128xf32, #tpu.memory_space<hbm>> -> memref<128x2x128xf32, #tpu.memory_space<hbm>>
    tpu.enqueue_dma source(%arg14 : memref<128x2x128xf32, #tpu.memory_space<vmem>>) target(%dma_start3A_165 : memref<128x2x128xf32, #tpu.memory_space<hbm>>) target_semaphore(%arg20 : memref<!tpu.dma_semaphore, #tpu.memory_space<semaphore_mem>>)
    %dma_wait3A_166 = arith.constant 0 : i32
    %dma_wait3A_167 = arith.constant 0 : i32
    %dma_wait3A_168 = tpu.memref_slice %arg4[%add3A_147, %dma_wait3A_166, %dma_wait3A_167] : memref<32768x2x128xf32, #tpu.memory_space<hbm>> -> memref<128x2x128xf32, #tpu.memory_space<hbm>>
    %dma_wait3A_169 = arith.constant 0 : i32
    %dma_wait3A_170 = arith.constant 0 : i32
    %dma_wait3A_171 = tpu.memref_slice %arg4[%add3A_147, %dma_wait3A_169, %dma_wait3A_170] : memref<32768x2x128xf32, #tpu.memory_space<hbm>> -> memref<128x2x128xf32, #tpu.memory_space<hbm>>
    tpu.wait_dma2 semaphore(%arg19 : memref<!tpu.dma_semaphore, #tpu.memory_space<semaphore_mem>>) src(%arg13 : memref<128x2x128xf32, #tpu.memory_space<vmem>>) dst(%dma_wait3A_171 : memref<128x2x128xf32, #tpu.memory_space<hbm>>)
    %dma_wait3A_172 = arith.constant 0 : i32
    %dma_wait3A_173 = arith.constant 0 : i32
    %dma_wait3A_174 = tpu.memref_slice %arg4[%add3A_159, %dma_wait3A_172, %dma_wait3A_173] : memref<32768x2x128xf32, #tpu.memory_space<hbm>> -> memref<128x2x128xf32, #tpu.memory_space<hbm>>
    %dma_wait3A_175 = arith.constant 0 : i32
    %dma_wait3A_176 = arith.constant 0 : i32
    %dma_wait3A_177 = tpu.memref_slice %arg4[%add3A_159, %dma_wait3A_175, %dma_wait3A_176] : memref<32768x2x128xf32, #tpu.memory_space<hbm>> -> memref<128x2x128xf32, #tpu.memory_space<hbm>>
    tpu.wait_dma2 semaphore(%arg20 : memref<!tpu.dma_semaphore, #tpu.memory_space<semaphore_mem>>) src(%arg14 : memref<128x2x128xf32, #tpu.memory_space<vmem>>) dst(%dma_wait3A_177 : memref<128x2x128xf32, #tpu.memory_space<hbm>>)
    return
  }
}

module attributes {stable_mosaic.version = 14 : i64} {
  func.func @_tc_body(%arg0: i32, %arg1: memref<1x512x256xf32, #tpu.memory_space<vmem>>, %arg2: memref<3x256x256xf32, #tpu.memory_space<vmem>>, %arg3: memref<1x256xf32, #tpu.memory_space<vmem>>, %arg4: memref<1x256xf32, #tpu.memory_space<vmem>>, %arg5: memref<1x256xf32, #tpu.memory_space<vmem>>, %arg6: memref<3x256x256xf32, #tpu.memory_space<vmem>>, %arg7: memref<1x256xf32, #tpu.memory_space<vmem>>, %arg8: memref<1x256xf32, #tpu.memory_space<vmem>>, %arg9: memref<1x256xf32, #tpu.memory_space<vmem>>, %arg10: memref<256x1xf32, #tpu.memory_space<vmem>>, %arg11: memref<1x1xf32, #tpu.memory_space<vmem>>, %arg12: memref<1x1x512xi32, #tpu.memory_space<vmem>>, %arg13: memref<1x512x1xf32, #tpu.memory_space<vmem>>, %arg14: memref<1x4096x1xi32, #tpu.memory_space<vmem>>) attributes {dimension_semantics = [#tpu.dimension_semantics<arbitrary>], iteration_bounds = array<i64: 8>, scalar_prefetch = 0 : i64, scratch_operands = 0 : i64, tpu.core_type = #tpu.core_type<tc>, window_params = [{transform_indices = @transform_0, window_bounds = array<i64: 1, 512, 256>}, {pipeline_mode = #tpu.pipeline_mode<synchronous>, transform_indices = @transform_1, window_bounds = array<i64: 3, 256, 256>}, {pipeline_mode = #tpu.pipeline_mode<synchronous>, transform_indices = @transform_2, window_bounds = array<i64: 1, 256>}, {pipeline_mode = #tpu.pipeline_mode<synchronous>, transform_indices = @transform_3, window_bounds = array<i64: 1, 256>}, {pipeline_mode = #tpu.pipeline_mode<synchronous>, transform_indices = @transform_4, window_bounds = array<i64: 1, 256>}, {pipeline_mode = #tpu.pipeline_mode<synchronous>, transform_indices = @transform_5, window_bounds = array<i64: 3, 256, 256>}, {pipeline_mode = #tpu.pipeline_mode<synchronous>, transform_indices = @transform_6, window_bounds = array<i64: 1, 256>}, {pipeline_mode = #tpu.pipeline_mode<synchronous>, transform_indices = @transform_7, window_bounds = array<i64: 1, 256>}, {pipeline_mode = #tpu.pipeline_mode<synchronous>, transform_indices = @transform_8, window_bounds = array<i64: 1, 256>}, {pipeline_mode = #tpu.pipeline_mode<synchronous>, transform_indices = @transform_9, window_bounds = array<i64: 256, 1>}, {pipeline_mode = #tpu.pipeline_mode<synchronous>, transform_indices = @transform_10, window_bounds = array<i64: 1, 1>}, {transform_indices = @transform_11, window_bounds = array<i64: 1, 1, 512>}, {transform_indices = @transform_12, window_bounds = array<i64: 1, 512, 1>}, {transform_indices = @transform_13, window_bounds = array<i64: 1, 4096, 1>}]} {
    %get3A = arith.constant 0 : index
    %get3A_0 = arith.constant 0 : index
    %get3A_1 = arith.constant 0 : index
    %get3A_2 = vector.load %arg1[%get3A, %get3A_0, %get3A_1] : memref<1x512x256xf32, #tpu.memory_space<vmem>>, vector<1x512x256xf32>
    %get3A_3 = vector.shape_cast %get3A_2 : vector<1x512x256xf32> to vector<512x256xf32>
    %get3A_4 = arith.constant 0 : index
    %get3A_5 = arith.constant 0 : index
    %get3A_6 = vector.load %arg3[%get3A_4, %get3A_5] : memref<1x256xf32, #tpu.memory_space<vmem>>, vector<1x256xf32>
    %get3A_7 = arith.constant 0 : index
    %get3A_8 = arith.constant 0 : index
    %get3A_9 = arith.constant 0 : index
    %get3A_10 = vector.load %arg2[%get3A_7, %get3A_8, %get3A_9] : memref<3x256x256xf32, #tpu.memory_space<vmem>>, vector<1x256x256xf32>
    %get3A_11 = vector.shape_cast %get3A_10 : vector<1x256x256xf32> to vector<256x256xf32>
    %dot_general3A = arith.constant dense<0.000000e+00> : vector<512x256xf32>
    %dot_general3A_12 = tpu.matmul %get3A_3, %get3A_11, %dot_general3A {dimension_numbers = #tpu.dot_dimension_numbers<[1], [0], [0], [1], [0, 0, 1, 1], [], []>, transpose_lhs_hint = false} : vector<512x256xf32>, vector<256x256xf32>, vector<512x256xf32> -> vector<512x256xf32>
    %get3A_13 = arith.constant 1 : index
    %get3A_14 = arith.constant 0 : index
    %get3A_15 = arith.constant 0 : index
    %get3A_16 = vector.load %arg2[%get3A_13, %get3A_14, %get3A_15] : memref<3x256x256xf32, #tpu.memory_space<vmem>>, vector<1x256x256xf32>
    %get3A_17 = vector.shape_cast %get3A_16 : vector<1x256x256xf32> to vector<256x256xf32>
    %dot_general3A_18 = arith.constant dense<0.000000e+00> : vector<512x256xf32>
    %dot_general3A_19 = tpu.matmul %get3A_3, %get3A_17, %dot_general3A_18 {dimension_numbers = #tpu.dot_dimension_numbers<[1], [0], [0], [1], [0, 0, 1, 1], [], []>, transpose_lhs_hint = false} : vector<512x256xf32>, vector<256x256xf32>, vector<512x256xf32> -> vector<512x256xf32>
    %get3A_20 = arith.constant 2 : index
    %get3A_21 = arith.constant 0 : index
    %get3A_22 = arith.constant 0 : index
    %get3A_23 = vector.load %arg2[%get3A_20, %get3A_21, %get3A_22] : memref<3x256x256xf32, #tpu.memory_space<vmem>>, vector<1x256x256xf32>
    %get3A_24 = vector.shape_cast %get3A_23 : vector<1x256x256xf32> to vector<256x256xf32>
    %dot_general3A_25 = arith.constant dense<0.000000e+00> : vector<512x256xf32>
    %dot_general3A_26 = tpu.matmul %get3A_3, %get3A_24, %dot_general3A_25 {dimension_numbers = #tpu.dot_dimension_numbers<[1], [0], [0], [1], [0, 0, 1, 1], [], []>, transpose_lhs_hint = false} : vector<512x256xf32>, vector<256x256xf32>, vector<512x256xf32> -> vector<512x256xf32>
    %broadcast_in_dim3A = arith.constant 0.000000e+00 : f32
    %broadcast_in_dim3A_27 = vector.broadcast %broadcast_in_dim3A : f32 to vector<1x256xf32>
    %slice3A = vector.extract_strided_slice %dot_general3A_12 {offsets = [0, 0], sizes = [511, 256], strides = [1, 1]} : vector<512x256xf32> to vector<511x256xf32>
    %concatenate3A = tpu.concatenate %broadcast_in_dim3A_27, %slice3A in 0 : vector<1x256xf32>, vector<511x256xf32> -> vector<512x256xf32>
    %add3A = arith.addf %concatenate3A, %dot_general3A_19 : vector<512x256xf32>
    %slice3A_28 = vector.extract_strided_slice %dot_general3A_26 {offsets = [1, 0], sizes = [511, 256], strides = [1, 1]} : vector<512x256xf32> to vector<511x256xf32>
    %concatenate3A_29 = tpu.concatenate %slice3A_28, %broadcast_in_dim3A_27 in 0 : vector<511x256xf32>, vector<1x256xf32> -> vector<512x256xf32>
    %add3A_30 = arith.addf %add3A, %concatenate3A_29 : vector<512x256xf32>
    %add3A_31 = vector.broadcast %get3A_6 : vector<1x256xf32> to vector<512x256xf32>
    %add3A_32 = arith.addf %add3A_30, %add3A_31 : vector<512x256xf32>
    %get3A_33 = arith.constant 0 : index
    %get3A_34 = arith.constant 0 : index
    %get3A_35 = vector.load %arg4[%get3A_33, %get3A_34] : memref<1x256xf32, #tpu.memory_space<vmem>>, vector<1x256xf32>
    %get3A_36 = arith.constant 0 : index
    %get3A_37 = arith.constant 0 : index
    %get3A_38 = vector.load %arg5[%get3A_36, %get3A_37] : memref<1x256xf32, #tpu.memory_space<vmem>>, vector<1x256xf32>
    %reduce_sum3A = arith.constant dense<0.000000e+00> : vector<512xf32>
    %reduce_sum3A_39 = vector.multi_reduction <add>, %add3A_32, %reduce_sum3A [1] : vector<512x256xf32> to vector<512xf32>
    %broadcast_in_dim3A_40 = vector.shape_cast %reduce_sum3A_39 : vector<512xf32> to vector<512x1xf32>
    %div3A = arith.constant 2.560000e+02 : f32
    %div3A_41 = vector.broadcast %div3A : f32 to vector<512x1xf32>
    %div3A_42 = arith.divf %broadcast_in_dim3A_40, %div3A_41 : vector<512x1xf32>
    %sub3A = vector.broadcast %div3A_42 : vector<512x1xf32> to vector<512x256xf32>
    %sub3A_43 = arith.subf %add3A_32, %sub3A : vector<512x256xf32>
    %integer_pow3A = arith.mulf %sub3A_43, %sub3A_43 : vector<512x256xf32>
    %reduce_sum3A_44 = arith.constant dense<0.000000e+00> : vector<512xf32>
    %reduce_sum3A_45 = vector.multi_reduction <add>, %integer_pow3A, %reduce_sum3A_44 [1] : vector<512x256xf32> to vector<512xf32>
    %broadcast_in_dim3A_46 = vector.shape_cast %reduce_sum3A_45 : vector<512xf32> to vector<512x1xf32>
    %div3A_47 = arith.constant 2.560000e+02 : f32
    %div3A_48 = vector.broadcast %div3A_47 : f32 to vector<512x1xf32>
    %div3A_49 = arith.divf %broadcast_in_dim3A_46, %div3A_48 : vector<512x1xf32>
    %sub3A_50 = vector.broadcast %div3A_42 : vector<512x1xf32> to vector<512x256xf32>
    %sub3A_51 = arith.subf %add3A_32, %sub3A_50 : vector<512x256xf32>
    %add3A_52 = arith.constant 9.99999974E-6 : f32
    %add3A_53 = vector.broadcast %add3A_52 : f32 to vector<512x1xf32>
    %add3A_54 = arith.addf %div3A_49, %add3A_53 : vector<512x1xf32>
    %rsqrt3A = math.rsqrt %add3A_54 : vector<512x1xf32>
    %mul3A = vector.broadcast %rsqrt3A : vector<512x1xf32> to vector<512x256xf32>
    %mul3A_55 = arith.mulf %sub3A_51, %mul3A : vector<512x256xf32>
    %mul3A_56 = vector.broadcast %get3A_35 : vector<1x256xf32> to vector<512x256xf32>
    %mul3A_57 = arith.mulf %mul3A_55, %mul3A_56 : vector<512x256xf32>
    %add3A_58 = vector.broadcast %get3A_38 : vector<1x256xf32> to vector<512x256xf32>
    %add3A_59 = arith.addf %mul3A_57, %add3A_58 : vector<512x256xf32>
    %max3A = arith.constant 0.000000e+00 : f32
    %max3A_60 = vector.broadcast %max3A : f32 to vector<512x256xf32>
    %max3A_61 = arith.maximumf %add3A_59, %max3A_60 : vector<512x256xf32>
    %get3A_62 = arith.constant 0 : index
    %get3A_63 = arith.constant 0 : index
    %get3A_64 = vector.load %arg7[%get3A_62, %get3A_63] : memref<1x256xf32, #tpu.memory_space<vmem>>, vector<1x256xf32>
    %get3A_65 = arith.constant 0 : index
    %get3A_66 = arith.constant 0 : index
    %get3A_67 = arith.constant 0 : index
    %get3A_68 = vector.load %arg6[%get3A_65, %get3A_66, %get3A_67] : memref<3x256x256xf32, #tpu.memory_space<vmem>>, vector<1x256x256xf32>
    %get3A_69 = vector.shape_cast %get3A_68 : vector<1x256x256xf32> to vector<256x256xf32>
    %dot_general3A_70 = arith.constant dense<0.000000e+00> : vector<512x256xf32>
    %dot_general3A_71 = tpu.matmul %max3A_61, %get3A_69, %dot_general3A_70 {dimension_numbers = #tpu.dot_dimension_numbers<[1], [0], [0], [1], [0, 0, 1, 1], [], []>, transpose_lhs_hint = false} : vector<512x256xf32>, vector<256x256xf32>, vector<512x256xf32> -> vector<512x256xf32>
    %get3A_72 = arith.constant 1 : index
    %get3A_73 = arith.constant 0 : index
    %get3A_74 = arith.constant 0 : index
    %get3A_75 = vector.load %arg6[%get3A_72, %get3A_73, %get3A_74] : memref<3x256x256xf32, #tpu.memory_space<vmem>>, vector<1x256x256xf32>
    %get3A_76 = vector.shape_cast %get3A_75 : vector<1x256x256xf32> to vector<256x256xf32>
    %dot_general3A_77 = arith.constant dense<0.000000e+00> : vector<512x256xf32>
    %dot_general3A_78 = tpu.matmul %max3A_61, %get3A_76, %dot_general3A_77 {dimension_numbers = #tpu.dot_dimension_numbers<[1], [0], [0], [1], [0, 0, 1, 1], [], []>, transpose_lhs_hint = false} : vector<512x256xf32>, vector<256x256xf32>, vector<512x256xf32> -> vector<512x256xf32>
    %get3A_79 = arith.constant 2 : index
    %get3A_80 = arith.constant 0 : index
    %get3A_81 = arith.constant 0 : index
    %get3A_82 = vector.load %arg6[%get3A_79, %get3A_80, %get3A_81] : memref<3x256x256xf32, #tpu.memory_space<vmem>>, vector<1x256x256xf32>
    %get3A_83 = vector.shape_cast %get3A_82 : vector<1x256x256xf32> to vector<256x256xf32>
    %dot_general3A_84 = arith.constant dense<0.000000e+00> : vector<512x256xf32>
    %dot_general3A_85 = tpu.matmul %max3A_61, %get3A_83, %dot_general3A_84 {dimension_numbers = #tpu.dot_dimension_numbers<[1], [0], [0], [1], [0, 0, 1, 1], [], []>, transpose_lhs_hint = false} : vector<512x256xf32>, vector<256x256xf32>, vector<512x256xf32> -> vector<512x256xf32>
    %broadcast_in_dim3A_86 = arith.constant 0.000000e+00 : f32
    %broadcast_in_dim3A_87 = vector.broadcast %broadcast_in_dim3A_86 : f32 to vector<1x256xf32>
    %slice3A_88 = vector.extract_strided_slice %dot_general3A_71 {offsets = [0, 0], sizes = [511, 256], strides = [1, 1]} : vector<512x256xf32> to vector<511x256xf32>
    %concatenate3A_89 = tpu.concatenate %broadcast_in_dim3A_87, %slice3A_88 in 0 : vector<1x256xf32>, vector<511x256xf32> -> vector<512x256xf32>
    %add3A_90 = arith.addf %concatenate3A_89, %dot_general3A_78 : vector<512x256xf32>
    %slice3A_91 = vector.extract_strided_slice %dot_general3A_85 {offsets = [1, 0], sizes = [511, 256], strides = [1, 1]} : vector<512x256xf32> to vector<511x256xf32>
    %concatenate3A_92 = tpu.concatenate %slice3A_91, %broadcast_in_dim3A_87 in 0 : vector<511x256xf32>, vector<1x256xf32> -> vector<512x256xf32>
    %add3A_93 = arith.addf %add3A_90, %concatenate3A_92 : vector<512x256xf32>
    %add3A_94 = vector.broadcast %get3A_64 : vector<1x256xf32> to vector<512x256xf32>
    %add3A_95 = arith.addf %add3A_93, %add3A_94 : vector<512x256xf32>
    %get3A_96 = arith.constant 0 : index
    %get3A_97 = arith.constant 0 : index
    %get3A_98 = vector.load %arg8[%get3A_96, %get3A_97] : memref<1x256xf32, #tpu.memory_space<vmem>>, vector<1x256xf32>
    %get3A_99 = arith.constant 0 : index
    %get3A_100 = arith.constant 0 : index
    %get3A_101 = vector.load %arg9[%get3A_99, %get3A_100] : memref<1x256xf32, #tpu.memory_space<vmem>>, vector<1x256xf32>
    %reduce_sum3A_102 = arith.constant dense<0.000000e+00> : vector<512xf32>
    %reduce_sum3A_103 = vector.multi_reduction <add>, %add3A_95, %reduce_sum3A_102 [1] : vector<512x256xf32> to vector<512xf32>
    %broadcast_in_dim3A_104 = vector.shape_cast %reduce_sum3A_103 : vector<512xf32> to vector<512x1xf32>
    %div3A_105 = arith.constant 2.560000e+02 : f32
    %div3A_106 = vector.broadcast %div3A_105 : f32 to vector<512x1xf32>
    %div3A_107 = arith.divf %broadcast_in_dim3A_104, %div3A_106 : vector<512x1xf32>
    %sub3A_108 = vector.broadcast %div3A_107 : vector<512x1xf32> to vector<512x256xf32>
    %sub3A_109 = arith.subf %add3A_95, %sub3A_108 : vector<512x256xf32>
    %integer_pow3A_110 = arith.mulf %sub3A_109, %sub3A_109 : vector<512x256xf32>
    %reduce_sum3A_111 = arith.constant dense<0.000000e+00> : vector<512xf32>
    %reduce_sum3A_112 = vector.multi_reduction <add>, %integer_pow3A_110, %reduce_sum3A_111 [1] : vector<512x256xf32> to vector<512xf32>
    %broadcast_in_dim3A_113 = vector.shape_cast %reduce_sum3A_112 : vector<512xf32> to vector<512x1xf32>
    %div3A_114 = arith.constant 2.560000e+02 : f32
    %div3A_115 = vector.broadcast %div3A_114 : f32 to vector<512x1xf32>
    %div3A_116 = arith.divf %broadcast_in_dim3A_113, %div3A_115 : vector<512x1xf32>
    %sub3A_117 = vector.broadcast %div3A_107 : vector<512x1xf32> to vector<512x256xf32>
    %sub3A_118 = arith.subf %add3A_95, %sub3A_117 : vector<512x256xf32>
    %add3A_119 = arith.constant 9.99999974E-6 : f32
    %add3A_120 = vector.broadcast %add3A_119 : f32 to vector<512x1xf32>
    %add3A_121 = arith.addf %div3A_116, %add3A_120 : vector<512x1xf32>
    %rsqrt3A_122 = math.rsqrt %add3A_121 : vector<512x1xf32>
    %mul3A_123 = vector.broadcast %rsqrt3A_122 : vector<512x1xf32> to vector<512x256xf32>
    %mul3A_124 = arith.mulf %sub3A_118, %mul3A_123 : vector<512x256xf32>
    %mul3A_125 = vector.broadcast %get3A_98 : vector<1x256xf32> to vector<512x256xf32>
    %mul3A_126 = arith.mulf %mul3A_124, %mul3A_125 : vector<512x256xf32>
    %add3A_127 = vector.broadcast %get3A_101 : vector<1x256xf32> to vector<512x256xf32>
    %add3A_128 = arith.addf %mul3A_126, %add3A_127 : vector<512x256xf32>
    %max3A_129 = arith.constant 0.000000e+00 : f32
    %max3A_130 = vector.broadcast %max3A_129 : f32 to vector<512x256xf32>
    %max3A_131 = arith.maximumf %add3A_128, %max3A_130 : vector<512x256xf32>
    %get3A_132 = arith.constant 0 : index
    %get3A_133 = arith.constant 0 : index
    %get3A_134 = vector.load %arg10[%get3A_132, %get3A_133] : memref<256x1xf32, #tpu.memory_space<vmem>>, vector<256x1xf32>
    %dot_general3A_135 = arith.constant dense<0.000000e+00> : vector<512x1xf32>
    %dot_general3A_136 = tpu.matmul %max3A_131, %get3A_134, %dot_general3A_135 {dimension_numbers = #tpu.dot_dimension_numbers<[1], [0], [0], [1], [0, 0, 1, 1], [], []>, transpose_lhs_hint = false} : vector<512x256xf32>, vector<256x1xf32>, vector<512x1xf32> -> vector<512x1xf32>
    %get3A_137 = arith.constant 0 : index
    %get3A_138 = arith.constant 0 : index
    %get3A_139 = vector.load %arg11[%get3A_137, %get3A_138] : memref<1x1xf32, #tpu.memory_space<vmem>>, vector<1x1xf32>
    %add3A_140 = vector.broadcast %get3A_139 : vector<1x1xf32> to vector<512x1xf32>
    %add3A_141 = arith.addf %dot_general3A_136, %add3A_140 : vector<512x1xf32>
    %max3A_142 = arith.constant 0.000000e+00 : f32
    %max3A_143 = vector.broadcast %max3A_142 : f32 to vector<512x1xf32>
    %max3A_144 = arith.maximumf %add3A_141, %max3A_143 : vector<512x1xf32>
    %swap3A = arith.constant 0 : index
    %swap3A_145 = arith.constant 0 : index
    %swap3A_146 = arith.constant 0 : index
    %swap3A_147 = vector.load %arg13[%swap3A, %swap3A_145, %swap3A_146] : memref<1x512x1xf32, #tpu.memory_space<vmem>>, vector<1x512x1xf32>
    %swap3A_148 = vector.shape_cast %swap3A_147 : vector<1x512x1xf32> to vector<512x1xf32>
    %swap3A_149 = vector.shape_cast %max3A_144 : vector<512x1xf32> to vector<1x512x1xf32>
    tpu.vector_store %arg13[%swap3A, %swap3A_145, %swap3A_146], %swap3A_149 {strides = array<i32>} : memref<1x512x1xf32, #tpu.memory_space<vmem>>, vector<1x512x1xf32>,
    %get3A_150 = arith.constant 0 : index
    %get3A_151 = arith.constant 0 : index
    %get3A_152 = arith.constant 0 : index
    %get3A_153 = vector.load %arg12[%get3A_150, %get3A_151, %get3A_152] : memref<1x1x512xi32, #tpu.memory_space<vmem>>, vector<1x1x512xi32>
    %get3A_154 = vector.shape_cast %get3A_153 : vector<1x1x512xi32> to vector<1x512xi32>
    %convert_element_type3A = arith.sitofp %get3A_154 : vector<1x512xi32> to vector<1x512xf32>
    %iota3A = tpu.iota {dimensions = array<i32: 0>} : vector<512x512xi32>
    %iota3A_155 = tpu.iota {dimensions = array<i32: 1>} : vector<512x512xi32>
    %le3A = arith.cmpi sle, %iota3A, %iota3A_155 : vector<512x512xi32>
    %convert_element_type3A_156 = arith.extui %le3A : vector<512x512xi1> to vector<512x512xi32>
    %convert_element_type3A_157 = arith.sitofp %convert_element_type3A_156 : vector<512x512xi32> to vector<512x512xf32>
    %dot_general3A_158 = arith.constant dense<0.000000e+00> : vector<1x512xf32>
    %dot_general3A_159 = tpu.matmul %convert_element_type3A, %convert_element_type3A_157, %dot_general3A_158 {dimension_numbers = #tpu.dot_dimension_numbers<[1], [0], [0], [1], [0, 0, 1, 1], [], []>, transpose_lhs_hint = false} : vector<1x512xf32>, vector<512x512xf32>, vector<1x512xf32> -> vector<1x512xf32>
    %slice3A_160 = vector.extract_strided_slice %dot_general3A_159 {offsets = [0, 511], sizes = [1, 1], strides = [1, 1]} : vector<1x512xf32> to vector<1x1xf32>
    %mul3A_161 = arith.constant 512 : i32
    %mul3A_162 = arith.muli %arg0, %mul3A_161 : i32
    %iota3A_163 = tpu.iota {dimensions = array<i32: 0>} : vector<512x1xi32>
    %add3A_164 = arith.constant 0 : i32
    %add3A_165 = vector.broadcast %add3A_164 : i32 to vector<512x1xi32>
    %add3A_166 = arith.addi %iota3A_163, %add3A_165 : vector<512x1xi32>
    %convert_element_type3A_167 = arith.sitofp %add3A_166 : vector<512x1xi32> to vector<512x1xf32>
    %le3A_168 = vector.broadcast %dot_general3A_159 : vector<1x512xf32> to vector<512x512xf32>
    %le3A_169 = vector.broadcast %convert_element_type3A_167 : vector<512x1xf32> to vector<512x512xf32>
    %le3A_170 = arith.cmpf ole, %le3A_168, %le3A_169 : vector<512x512xf32>
    %convert_element_type3A_171 = arith.extui %le3A_170 : vector<512x512xi1> to vector<512x512xi32>
    %convert_element_type3A_172 = arith.sitofp %convert_element_type3A_171 : vector<512x512xi32> to vector<512x512xf32>
    %reduce_sum3A_173 = arith.constant dense<0.000000e+00> : vector<512xf32>
    %reduce_sum3A_174 = vector.multi_reduction <add>, %convert_element_type3A_172, %reduce_sum3A_173 [1] : vector<512x512xf32> to vector<512xf32>
    %broadcast_in_dim3A_175 = vector.shape_cast %reduce_sum3A_174 : vector<512xf32> to vector<512x1xf32>
    %and3A = arith.constant 127 : i32
    %and3A_176 = vector.broadcast %and3A : i32 to vector<512x1xi32>
    %and3A_177 = arith.andi %add3A_166, %and3A_176 : vector<512x1xi32>
    %add3A_178 = arith.constant 4096 : i32
    %add3A_179 = vector.broadcast %add3A_178 : i32 to vector<512x1xi32>
    %add3A_180 = arith.addi %add3A_179, %and3A_177 : vector<512x1xi32>
    %lt3A = vector.broadcast %slice3A_160 : vector<1x1xf32> to vector<512x1xf32>
    %lt3A_181 = arith.cmpf olt, %convert_element_type3A_167, %lt3A : vector<512x1xf32>
    %convert_element_type3A_182 = arith.fptosi %broadcast_in_dim3A_175 : vector<512x1xf32> to vector<512x1xi32>
    %add3A_183 = vector.broadcast %mul3A_162 : i32 to vector<512x1xi32>
    %add3A_184 = arith.addi %convert_element_type3A_182, %add3A_183 : vector<512x1xi32>
    %select_n3A = arith.select %lt3A_181, %add3A_184, %add3A_180 : vector<512x1xi1>, vector<512x1xi32>
    %swap3A_185 = arith.constant 0 : index
    %swap3A_186 = arith.constant 0 : index
    %swap3A_187 = arith.constant 0 : index
    %swap3A_188 = vector.load %arg14[%swap3A_185, %swap3A_186, %swap3A_187] : memref<1x4096x1xi32, #tpu.memory_space<vmem>>, vector<1x512x1xi32>
    %swap3A_189 = vector.shape_cast %swap3A_188 : vector<1x512x1xi32> to vector<512x1xi32>
    %swap3A_190 = vector.shape_cast %select_n3A : vector<512x1xi32> to vector<1x512x1xi32>
    tpu.vector_store %arg14[%swap3A_185, %swap3A_186, %swap3A_187], %swap3A_190 {strides = array<i32>} : memref<1x4096x1xi32, #tpu.memory_space<vmem>>, vector<1x512x1xi32>,
    %iota3A_191 = tpu.iota {dimensions = array<i32: 0>} : vector<512x1xi32>
    %add3A_192 = arith.constant 512 : i32
    %add3A_193 = vector.broadcast %add3A_192 : i32 to vector<512x1xi32>
    %add3A_194 = arith.addi %iota3A_191, %add3A_193 : vector<512x1xi32>
    %convert_element_type3A_195 = arith.sitofp %add3A_194 : vector<512x1xi32> to vector<512x1xf32>
    %le3A_196 = vector.broadcast %dot_general3A_159 : vector<1x512xf32> to vector<512x512xf32>
    %le3A_197 = vector.broadcast %convert_element_type3A_195 : vector<512x1xf32> to vector<512x512xf32>
    %le3A_198 = arith.cmpf ole, %le3A_196, %le3A_197 : vector<512x512xf32>
    %convert_element_type3A_199 = arith.extui %le3A_198 : vector<512x512xi1> to vector<512x512xi32>
    %convert_element_type3A_200 = arith.sitofp %convert_element_type3A_199 : vector<512x512xi32> to vector<512x512xf32>
    %reduce_sum3A_201 = arith.constant dense<0.000000e+00> : vector<512xf32>
    %reduce_sum3A_202 = vector.multi_reduction <add>, %convert_element_type3A_200, %reduce_sum3A_201 [1] : vector<512x512xf32> to vector<512xf32>
    %broadcast_in_dim3A_203 = vector.shape_cast %reduce_sum3A_202 : vector<512xf32> to vector<512x1xf32>
    %and3A_204 = arith.constant 127 : i32
    %and3A_205 = vector.broadcast %and3A_204 : i32 to vector<512x1xi32>
    %and3A_206 = arith.andi %add3A_194, %and3A_205 : vector<512x1xi32>
    %add3A_207 = arith.constant 4096 : i32
    %add3A_208 = vector.broadcast %add3A_207 : i32 to vector<512x1xi32>
    %add3A_209 = arith.addi %add3A_208, %and3A_206 : vector<512x1xi32>
    %lt3A_210 = vector.broadcast %slice3A_160 : vector<1x1xf32> to vector<512x1xf32>
    %lt3A_211 = arith.cmpf olt, %convert_element_type3A_195, %lt3A_210 : vector<512x1xf32>
    %convert_element_type3A_212 = arith.fptosi %broadcast_in_dim3A_203 : vector<512x1xf32> to vector<512x1xi32>
    %add3A_213 = vector.broadcast %mul3A_162 : i32 to vector<512x1xi32>
    %add3A_214 = arith.addi %convert_element_type3A_212, %add3A_213 : vector<512x1xi32>
    %select_n3A_215 = arith.select %lt3A_211, %add3A_214, %add3A_209 : vector<512x1xi1>, vector<512x1xi32>
    %swap3A_216 = arith.constant 0 : index
    %swap3A_217 = arith.constant 512 : index
    %swap3A_218 = arith.constant 0 : index
    %swap3A_219 = vector.load %arg14[%swap3A_216, %swap3A_217, %swap3A_218] : memref<1x4096x1xi32, #tpu.memory_space<vmem>>, vector<1x512x1xi32>
    %swap3A_220 = vector.shape_cast %swap3A_219 : vector<1x512x1xi32> to vector<512x1xi32>
    %swap3A_221 = vector.shape_cast %select_n3A_215 : vector<512x1xi32> to vector<1x512x1xi32>
    tpu.vector_store %arg14[%swap3A_216, %swap3A_217, %swap3A_218], %swap3A_221 {strides = array<i32>} : memref<1x4096x1xi32, #tpu.memory_space<vmem>>, vector<1x512x1xi32>,
    %iota3A_222 = tpu.iota {dimensions = array<i32: 0>} : vector<512x1xi32>
    %add3A_223 = arith.constant 1024 : i32
    %add3A_224 = vector.broadcast %add3A_223 : i32 to vector<512x1xi32>
    %add3A_225 = arith.addi %iota3A_222, %add3A_224 : vector<512x1xi32>
    %convert_element_type3A_226 = arith.sitofp %add3A_225 : vector<512x1xi32> to vector<512x1xf32>
    %le3A_227 = vector.broadcast %dot_general3A_159 : vector<1x512xf32> to vector<512x512xf32>
    %le3A_228 = vector.broadcast %convert_element_type3A_226 : vector<512x1xf32> to vector<512x512xf32>
    %le3A_229 = arith.cmpf ole, %le3A_227, %le3A_228 : vector<512x512xf32>
    %convert_element_type3A_230 = arith.extui %le3A_229 : vector<512x512xi1> to vector<512x512xi32>
    %convert_element_type3A_231 = arith.sitofp %convert_element_type3A_230 : vector<512x512xi32> to vector<512x512xf32>
    %reduce_sum3A_232 = arith.constant dense<0.000000e+00> : vector<512xf32>
    %reduce_sum3A_233 = vector.multi_reduction <add>, %convert_element_type3A_231, %reduce_sum3A_232 [1] : vector<512x512xf32> to vector<512xf32>
    %broadcast_in_dim3A_234 = vector.shape_cast %reduce_sum3A_233 : vector<512xf32> to vector<512x1xf32>
    %and3A_235 = arith.constant 127 : i32
    %and3A_236 = vector.broadcast %and3A_235 : i32 to vector<512x1xi32>
    %and3A_237 = arith.andi %add3A_225, %and3A_236 : vector<512x1xi32>
    %add3A_238 = arith.constant 4096 : i32
    %add3A_239 = vector.broadcast %add3A_238 : i32 to vector<512x1xi32>
    %add3A_240 = arith.addi %add3A_239, %and3A_237 : vector<512x1xi32>
    %lt3A_241 = vector.broadcast %slice3A_160 : vector<1x1xf32> to vector<512x1xf32>
    %lt3A_242 = arith.cmpf olt, %convert_element_type3A_226, %lt3A_241 : vector<512x1xf32>
    %convert_element_type3A_243 = arith.fptosi %broadcast_in_dim3A_234 : vector<512x1xf32> to vector<512x1xi32>
    %add3A_244 = vector.broadcast %mul3A_162 : i32 to vector<512x1xi32>
    %add3A_245 = arith.addi %convert_element_type3A_243, %add3A_244 : vector<512x1xi32>
    %select_n3A_246 = arith.select %lt3A_242, %add3A_245, %add3A_240 : vector<512x1xi1>, vector<512x1xi32>
    %swap3A_247 = arith.constant 0 : index
    %swap3A_248 = arith.constant 1024 : index
    %swap3A_249 = arith.constant 0 : index
    %swap3A_250 = vector.load %arg14[%swap3A_247, %swap3A_248, %swap3A_249] : memref<1x4096x1xi32, #tpu.memory_space<vmem>>, vector<1x512x1xi32>
    %swap3A_251 = vector.shape_cast %swap3A_250 : vector<1x512x1xi32> to vector<512x1xi32>
    %swap3A_252 = vector.shape_cast %select_n3A_246 : vector<512x1xi32> to vector<1x512x1xi32>
    tpu.vector_store %arg14[%swap3A_247, %swap3A_248, %swap3A_249], %swap3A_252 {strides = array<i32>} : memref<1x4096x1xi32, #tpu.memory_space<vmem>>, vector<1x512x1xi32>,
    %iota3A_253 = tpu.iota {dimensions = array<i32: 0>} : vector<512x1xi32>
    %add3A_254 = arith.constant 1536 : i32
    %add3A_255 = vector.broadcast %add3A_254 : i32 to vector<512x1xi32>
    %add3A_256 = arith.addi %iota3A_253, %add3A_255 : vector<512x1xi32>
    %convert_element_type3A_257 = arith.sitofp %add3A_256 : vector<512x1xi32> to vector<512x1xf32>
    %le3A_258 = vector.broadcast %dot_general3A_159 : vector<1x512xf32> to vector<512x512xf32>
    %le3A_259 = vector.broadcast %convert_element_type3A_257 : vector<512x1xf32> to vector<512x512xf32>
    %le3A_260 = arith.cmpf ole, %le3A_258, %le3A_259 : vector<512x512xf32>
    %convert_element_type3A_261 = arith.extui %le3A_260 : vector<512x512xi1> to vector<512x512xi32>
    %convert_element_type3A_262 = arith.sitofp %convert_element_type3A_261 : vector<512x512xi32> to vector<512x512xf32>
    %reduce_sum3A_263 = arith.constant dense<0.000000e+00> : vector<512xf32>
    %reduce_sum3A_264 = vector.multi_reduction <add>, %convert_element_type3A_262, %reduce_sum3A_263 [1] : vector<512x512xf32> to vector<512xf32>
    %broadcast_in_dim3A_265 = vector.shape_cast %reduce_sum3A_264 : vector<512xf32> to vector<512x1xf32>
    %and3A_266 = arith.constant 127 : i32
    %and3A_267 = vector.broadcast %and3A_266 : i32 to vector<512x1xi32>
    %and3A_268 = arith.andi %add3A_256, %and3A_267 : vector<512x1xi32>
    %add3A_269 = arith.constant 4096 : i32
    %add3A_270 = vector.broadcast %add3A_269 : i32 to vector<512x1xi32>
    %add3A_271 = arith.addi %add3A_270, %and3A_268 : vector<512x1xi32>
    %lt3A_272 = vector.broadcast %slice3A_160 : vector<1x1xf32> to vector<512x1xf32>
    %lt3A_273 = arith.cmpf olt, %convert_element_type3A_257, %lt3A_272 : vector<512x1xf32>
    %convert_element_type3A_274 = arith.fptosi %broadcast_in_dim3A_265 : vector<512x1xf32> to vector<512x1xi32>
    %add3A_275 = vector.broadcast %mul3A_162 : i32 to vector<512x1xi32>
    %add3A_276 = arith.addi %convert_element_type3A_274, %add3A_275 : vector<512x1xi32>
    %select_n3A_277 = arith.select %lt3A_273, %add3A_276, %add3A_271 : vector<512x1xi1>, vector<512x1xi32>
    %swap3A_278 = arith.constant 0 : index
    %swap3A_279 = arith.constant 1536 : index
    %swap3A_280 = arith.constant 0 : index
    %swap3A_281 = vector.load %arg14[%swap3A_278, %swap3A_279, %swap3A_280] : memref<1x4096x1xi32, #tpu.memory_space<vmem>>, vector<1x512x1xi32>
    %swap3A_282 = vector.shape_cast %swap3A_281 : vector<1x512x1xi32> to vector<512x1xi32>
    %swap3A_283 = vector.shape_cast %select_n3A_277 : vector<512x1xi32> to vector<1x512x1xi32>
    tpu.vector_store %arg14[%swap3A_278, %swap3A_279, %swap3A_280], %swap3A_283 {strides = array<i32>} : memref<1x4096x1xi32, #tpu.memory_space<vmem>>, vector<1x512x1xi32>,
    %iota3A_284 = tpu.iota {dimensions = array<i32: 0>} : vector<512x1xi32>
    %add3A_285 = arith.constant 2048 : i32
    %add3A_286 = vector.broadcast %add3A_285 : i32 to vector<512x1xi32>
    %add3A_287 = arith.addi %iota3A_284, %add3A_286 : vector<512x1xi32>
    %convert_element_type3A_288 = arith.sitofp %add3A_287 : vector<512x1xi32> to vector<512x1xf32>
    %le3A_289 = vector.broadcast %dot_general3A_159 : vector<1x512xf32> to vector<512x512xf32>
    %le3A_290 = vector.broadcast %convert_element_type3A_288 : vector<512x1xf32> to vector<512x512xf32>
    %le3A_291 = arith.cmpf ole, %le3A_289, %le3A_290 : vector<512x512xf32>
    %convert_element_type3A_292 = arith.extui %le3A_291 : vector<512x512xi1> to vector<512x512xi32>
    %convert_element_type3A_293 = arith.sitofp %convert_element_type3A_292 : vector<512x512xi32> to vector<512x512xf32>
    %reduce_sum3A_294 = arith.constant dense<0.000000e+00> : vector<512xf32>
    %reduce_sum3A_295 = vector.multi_reduction <add>, %convert_element_type3A_293, %reduce_sum3A_294 [1] : vector<512x512xf32> to vector<512xf32>
    %broadcast_in_dim3A_296 = vector.shape_cast %reduce_sum3A_295 : vector<512xf32> to vector<512x1xf32>
    %and3A_297 = arith.constant 127 : i32
    %and3A_298 = vector.broadcast %and3A_297 : i32 to vector<512x1xi32>
    %and3A_299 = arith.andi %add3A_287, %and3A_298 : vector<512x1xi32>
    %add3A_300 = arith.constant 4096 : i32
    %add3A_301 = vector.broadcast %add3A_300 : i32 to vector<512x1xi32>
    %add3A_302 = arith.addi %add3A_301, %and3A_299 : vector<512x1xi32>
    %lt3A_303 = vector.broadcast %slice3A_160 : vector<1x1xf32> to vector<512x1xf32>
    %lt3A_304 = arith.cmpf olt, %convert_element_type3A_288, %lt3A_303 : vector<512x1xf32>
    %convert_element_type3A_305 = arith.fptosi %broadcast_in_dim3A_296 : vector<512x1xf32> to vector<512x1xi32>
    %add3A_306 = vector.broadcast %mul3A_162 : i32 to vector<512x1xi32>
    %add3A_307 = arith.addi %convert_element_type3A_305, %add3A_306 : vector<512x1xi32>
    %select_n3A_308 = arith.select %lt3A_304, %add3A_307, %add3A_302 : vector<512x1xi1>, vector<512x1xi32>
    %swap3A_309 = arith.constant 0 : index
    %swap3A_310 = arith.constant 2048 : index
    %swap3A_311 = arith.constant 0 : index
    %swap3A_312 = vector.load %arg14[%swap3A_309, %swap3A_310, %swap3A_311] : memref<1x4096x1xi32, #tpu.memory_space<vmem>>, vector<1x512x1xi32>
    %swap3A_313 = vector.shape_cast %swap3A_312 : vector<1x512x1xi32> to vector<512x1xi32>
    %swap3A_314 = vector.shape_cast %select_n3A_308 : vector<512x1xi32> to vector<1x512x1xi32>
    tpu.vector_store %arg14[%swap3A_309, %swap3A_310, %swap3A_311], %swap3A_314 {strides = array<i32>} : memref<1x4096x1xi32, #tpu.memory_space<vmem>>, vector<1x512x1xi32>,
    %iota3A_315 = tpu.iota {dimensions = array<i32: 0>} : vector<512x1xi32>
    %add3A_316 = arith.constant 2560 : i32
    %add3A_317 = vector.broadcast %add3A_316 : i32 to vector<512x1xi32>
    %add3A_318 = arith.addi %iota3A_315, %add3A_317 : vector<512x1xi32>
    %convert_element_type3A_319 = arith.sitofp %add3A_318 : vector<512x1xi32> to vector<512x1xf32>
    %le3A_320 = vector.broadcast %dot_general3A_159 : vector<1x512xf32> to vector<512x512xf32>
    %le3A_321 = vector.broadcast %convert_element_type3A_319 : vector<512x1xf32> to vector<512x512xf32>
    %le3A_322 = arith.cmpf ole, %le3A_320, %le3A_321 : vector<512x512xf32>
    %convert_element_type3A_323 = arith.extui %le3A_322 : vector<512x512xi1> to vector<512x512xi32>
    %convert_element_type3A_324 = arith.sitofp %convert_element_type3A_323 : vector<512x512xi32> to vector<512x512xf32>
    %reduce_sum3A_325 = arith.constant dense<0.000000e+00> : vector<512xf32>
    %reduce_sum3A_326 = vector.multi_reduction <add>, %convert_element_type3A_324, %reduce_sum3A_325 [1] : vector<512x512xf32> to vector<512xf32>
    %broadcast_in_dim3A_327 = vector.shape_cast %reduce_sum3A_326 : vector<512xf32> to vector<512x1xf32>
    %and3A_328 = arith.constant 127 : i32
    %and3A_329 = vector.broadcast %and3A_328 : i32 to vector<512x1xi32>
    %and3A_330 = arith.andi %add3A_318, %and3A_329 : vector<512x1xi32>
    %add3A_331 = arith.constant 4096 : i32
    %add3A_332 = vector.broadcast %add3A_331 : i32 to vector<512x1xi32>
    %add3A_333 = arith.addi %add3A_332, %and3A_330 : vector<512x1xi32>
    %lt3A_334 = vector.broadcast %slice3A_160 : vector<1x1xf32> to vector<512x1xf32>
    %lt3A_335 = arith.cmpf olt, %convert_element_type3A_319, %lt3A_334 : vector<512x1xf32>
    %convert_element_type3A_336 = arith.fptosi %broadcast_in_dim3A_327 : vector<512x1xf32> to vector<512x1xi32>
    %add3A_337 = vector.broadcast %mul3A_162 : i32 to vector<512x1xi32>
    %add3A_338 = arith.addi %convert_element_type3A_336, %add3A_337 : vector<512x1xi32>
    %select_n3A_339 = arith.select %lt3A_335, %add3A_338, %add3A_333 : vector<512x1xi1>, vector<512x1xi32>
    %swap3A_340 = arith.constant 0 : index
    %swap3A_341 = arith.constant 2560 : index
    %swap3A_342 = arith.constant 0 : index
    %swap3A_343 = vector.load %arg14[%swap3A_340, %swap3A_341, %swap3A_342] : memref<1x4096x1xi32, #tpu.memory_space<vmem>>, vector<1x512x1xi32>
    %swap3A_344 = vector.shape_cast %swap3A_343 : vector<1x512x1xi32> to vector<512x1xi32>
    %swap3A_345 = vector.shape_cast %select_n3A_339 : vector<512x1xi32> to vector<1x512x1xi32>
    tpu.vector_store %arg14[%swap3A_340, %swap3A_341, %swap3A_342], %swap3A_345 {strides = array<i32>} : memref<1x4096x1xi32, #tpu.memory_space<vmem>>, vector<1x512x1xi32>,
    %iota3A_346 = tpu.iota {dimensions = array<i32: 0>} : vector<512x1xi32>
    %add3A_347 = arith.constant 3072 : i32
    %add3A_348 = vector.broadcast %add3A_347 : i32 to vector<512x1xi32>
    %add3A_349 = arith.addi %iota3A_346, %add3A_348 : vector<512x1xi32>
    %convert_element_type3A_350 = arith.sitofp %add3A_349 : vector<512x1xi32> to vector<512x1xf32>
    %le3A_351 = vector.broadcast %dot_general3A_159 : vector<1x512xf32> to vector<512x512xf32>
    %le3A_352 = vector.broadcast %convert_element_type3A_350 : vector<512x1xf32> to vector<512x512xf32>
    %le3A_353 = arith.cmpf ole, %le3A_351, %le3A_352 : vector<512x512xf32>
    %convert_element_type3A_354 = arith.extui %le3A_353 : vector<512x512xi1> to vector<512x512xi32>
    %convert_element_type3A_355 = arith.sitofp %convert_element_type3A_354 : vector<512x512xi32> to vector<512x512xf32>
    %reduce_sum3A_356 = arith.constant dense<0.000000e+00> : vector<512xf32>
    %reduce_sum3A_357 = vector.multi_reduction <add>, %convert_element_type3A_355, %reduce_sum3A_356 [1] : vector<512x512xf32> to vector<512xf32>
    %broadcast_in_dim3A_358 = vector.shape_cast %reduce_sum3A_357 : vector<512xf32> to vector<512x1xf32>
    %and3A_359 = arith.constant 127 : i32
    %and3A_360 = vector.broadcast %and3A_359 : i32 to vector<512x1xi32>
    %and3A_361 = arith.andi %add3A_349, %and3A_360 : vector<512x1xi32>
    %add3A_362 = arith.constant 4096 : i32
    %add3A_363 = vector.broadcast %add3A_362 : i32 to vector<512x1xi32>
    %add3A_364 = arith.addi %add3A_363, %and3A_361 : vector<512x1xi32>
    %lt3A_365 = vector.broadcast %slice3A_160 : vector<1x1xf32> to vector<512x1xf32>
    %lt3A_366 = arith.cmpf olt, %convert_element_type3A_350, %lt3A_365 : vector<512x1xf32>
    %convert_element_type3A_367 = arith.fptosi %broadcast_in_dim3A_358 : vector<512x1xf32> to vector<512x1xi32>
    %add3A_368 = vector.broadcast %mul3A_162 : i32 to vector<512x1xi32>
    %add3A_369 = arith.addi %convert_element_type3A_367, %add3A_368 : vector<512x1xi32>
    %select_n3A_370 = arith.select %lt3A_366, %add3A_369, %add3A_364 : vector<512x1xi1>, vector<512x1xi32>
    %swap3A_371 = arith.constant 0 : index
    %swap3A_372 = arith.constant 3072 : index
    %swap3A_373 = arith.constant 0 : index
    %swap3A_374 = vector.load %arg14[%swap3A_371, %swap3A_372, %swap3A_373] : memref<1x4096x1xi32, #tpu.memory_space<vmem>>, vector<1x512x1xi32>
    %swap3A_375 = vector.shape_cast %swap3A_374 : vector<1x512x1xi32> to vector<512x1xi32>
    %swap3A_376 = vector.shape_cast %select_n3A_370 : vector<512x1xi32> to vector<1x512x1xi32>
    tpu.vector_store %arg14[%swap3A_371, %swap3A_372, %swap3A_373], %swap3A_376 {strides = array<i32>} : memref<1x4096x1xi32, #tpu.memory_space<vmem>>, vector<1x512x1xi32>,
    %iota3A_377 = tpu.iota {dimensions = array<i32: 0>} : vector<512x1xi32>
    %add3A_378 = arith.constant 3584 : i32
    %add3A_379 = vector.broadcast %add3A_378 : i32 to vector<512x1xi32>
    %add3A_380 = arith.addi %iota3A_377, %add3A_379 : vector<512x1xi32>
    %convert_element_type3A_381 = arith.sitofp %add3A_380 : vector<512x1xi32> to vector<512x1xf32>
    %le3A_382 = vector.broadcast %dot_general3A_159 : vector<1x512xf32> to vector<512x512xf32>
    %le3A_383 = vector.broadcast %convert_element_type3A_381 : vector<512x1xf32> to vector<512x512xf32>
    %le3A_384 = arith.cmpf ole, %le3A_382, %le3A_383 : vector<512x512xf32>
    %convert_element_type3A_385 = arith.extui %le3A_384 : vector<512x512xi1> to vector<512x512xi32>
    %convert_element_type3A_386 = arith.sitofp %convert_element_type3A_385 : vector<512x512xi32> to vector<512x512xf32>
    %reduce_sum3A_387 = arith.constant dense<0.000000e+00> : vector<512xf32>
    %reduce_sum3A_388 = vector.multi_reduction <add>, %convert_element_type3A_386, %reduce_sum3A_387 [1] : vector<512x512xf32> to vector<512xf32>
    %broadcast_in_dim3A_389 = vector.shape_cast %reduce_sum3A_388 : vector<512xf32> to vector<512x1xf32>
    %and3A_390 = arith.constant 127 : i32
    %and3A_391 = vector.broadcast %and3A_390 : i32 to vector<512x1xi32>
    %and3A_392 = arith.andi %add3A_380, %and3A_391 : vector<512x1xi32>
    %add3A_393 = arith.constant 4096 : i32
    %add3A_394 = vector.broadcast %add3A_393 : i32 to vector<512x1xi32>
    %add3A_395 = arith.addi %add3A_394, %and3A_392 : vector<512x1xi32>
    %lt3A_396 = vector.broadcast %slice3A_160 : vector<1x1xf32> to vector<512x1xf32>
    %lt3A_397 = arith.cmpf olt, %convert_element_type3A_381, %lt3A_396 : vector<512x1xf32>
    %convert_element_type3A_398 = arith.fptosi %broadcast_in_dim3A_389 : vector<512x1xf32> to vector<512x1xi32>
    %add3A_399 = vector.broadcast %mul3A_162 : i32 to vector<512x1xi32>
    %add3A_400 = arith.addi %convert_element_type3A_398, %add3A_399 : vector<512x1xi32>
    %select_n3A_401 = arith.select %lt3A_397, %add3A_400, %add3A_395 : vector<512x1xi1>, vector<512x1xi32>
    %swap3A_402 = arith.constant 0 : index
    %swap3A_403 = arith.constant 3584 : index
    %swap3A_404 = arith.constant 0 : index
    %swap3A_405 = vector.load %arg14[%swap3A_402, %swap3A_403, %swap3A_404] : memref<1x4096x1xi32, #tpu.memory_space<vmem>>, vector<1x512x1xi32>
    %swap3A_406 = vector.shape_cast %swap3A_405 : vector<1x512x1xi32> to vector<512x1xi32>
    %swap3A_407 = vector.shape_cast %select_n3A_401 : vector<512x1xi32> to vector<1x512x1xi32>
    tpu.vector_store %arg14[%swap3A_402, %swap3A_403, %swap3A_404], %swap3A_407 {strides = array<i32>} : memref<1x4096x1xi32, #tpu.memory_space<vmem>>, vector<1x512x1xi32>,
    return
  }
  func.func @transform_0(%arg0: i32) -> (i32, i32, i32) {
    %c0_i32 = arith.constant 0 : i32
    %c0_i32_0 = arith.constant 0 : i32
    %c0_i32_1 = arith.constant 0 : i32
    return %arg0, %c0_i32, %c0_i32_0 : i32, i32, i32
  }
  func.func @transform_1(%arg0: i32) -> (i32, i32, i32) {
    %c0_i32 = arith.constant 0 : i32
    %c0_i32_0 = arith.constant 0 : i32
    %c0_i32_1 = arith.constant 0 : i32
    %c0_i32_2 = arith.constant 0 : i32
    return %c0_i32, %c0_i32_0, %c0_i32_1 : i32, i32, i32
  }
  func.func @transform_2(%arg0: i32) -> (i32, i32) {
    %c0_i32 = arith.constant 0 : i32
    %c0_i32_0 = arith.constant 0 : i32
    %c0_i32_1 = arith.constant 0 : i32
    return %c0_i32, %c0_i32_0 : i32, i32
  }
  func.func @transform_3(%arg0: i32) -> (i32, i32) {
    %c0_i32 = arith.constant 0 : i32
    %c0_i32_0 = arith.constant 0 : i32
    %c0_i32_1 = arith.constant 0 : i32
    return %c0_i32, %c0_i32_0 : i32, i32
  }
  func.func @transform_4(%arg0: i32) -> (i32, i32) {
    %c0_i32 = arith.constant 0 : i32
    %c0_i32_0 = arith.constant 0 : i32
    %c0_i32_1 = arith.constant 0 : i32
    return %c0_i32, %c0_i32_0 : i32, i32
  }
  func.func @transform_5(%arg0: i32) -> (i32, i32, i32) {
    %c0_i32 = arith.constant 0 : i32
    %c0_i32_0 = arith.constant 0 : i32
    %c0_i32_1 = arith.constant 0 : i32
    %c0_i32_2 = arith.constant 0 : i32
    return %c0_i32, %c0_i32_0, %c0_i32_1 : i32, i32, i32
  }
  func.func @transform_6(%arg0: i32) -> (i32, i32) {
    %c0_i32 = arith.constant 0 : i32
    %c0_i32_0 = arith.constant 0 : i32
    %c0_i32_1 = arith.constant 0 : i32
    return %c0_i32, %c0_i32_0 : i32, i32
  }
  func.func @transform_7(%arg0: i32) -> (i32, i32) {
    %c0_i32 = arith.constant 0 : i32
    %c0_i32_0 = arith.constant 0 : i32
    %c0_i32_1 = arith.constant 0 : i32
    return %c0_i32, %c0_i32_0 : i32, i32
  }
  func.func @transform_8(%arg0: i32) -> (i32, i32) {
    %c0_i32 = arith.constant 0 : i32
    %c0_i32_0 = arith.constant 0 : i32
    %c0_i32_1 = arith.constant 0 : i32
    return %c0_i32, %c0_i32_0 : i32, i32
  }
  func.func @transform_9(%arg0: i32) -> (i32, i32) {
    %c0_i32 = arith.constant 0 : i32
    %c0_i32_0 = arith.constant 0 : i32
    %c0_i32_1 = arith.constant 0 : i32
    return %c0_i32, %c0_i32_0 : i32, i32
  }
  func.func @transform_10(%arg0: i32) -> (i32, i32) {
    %c0_i32 = arith.constant 0 : i32
    %c0_i32_0 = arith.constant 0 : i32
    %c0_i32_1 = arith.constant 0 : i32
    return %c0_i32, %c0_i32_0 : i32, i32
  }
  func.func @transform_11(%arg0: i32) -> (i32, i32, i32) {
    %c0_i32 = arith.constant 0 : i32
    %c0_i32_0 = arith.constant 0 : i32
    %c0_i32_1 = arith.constant 0 : i32
    return %arg0, %c0_i32, %c0_i32_0 : i32, i32, i32
  }
  func.func @transform_12(%arg0: i32) -> (i32, i32, i32) {
    %c0_i32 = arith.constant 0 : i32
    %c0_i32_0 = arith.constant 0 : i32
    %c0_i32_1 = arith.constant 0 : i32
    return %arg0, %c0_i32, %c0_i32_0 : i32, i32, i32
  }
  func.func @transform_13(%arg0: i32) -> (i32, i32, i32) {
    %c0_i32 = arith.constant 0 : i32
    %c0_i32_0 = arith.constant 0 : i32
    %c0_i32_1 = arith.constant 0 : i32
    return %arg0, %c0_i32, %c0_i32_0 : i32, i32, i32
  }
}

</mosaic_0001>

<sc_bundles>
// kernel: kernel.4.cloned.1.call-start
scs
__scs_entry_jumppad:
0x0: {  	(pc) =	sbr.rel $0x88, $3  }
0x1: {  	(tag) =	ssettag $0x0;
	lr =	simm.s32 $0x1  }
0x2: {  	[smem:$0x3F95] =	sst lr;
	_ =	strace $0xD0000000  }
0x3: {  	_ = 	snop  }
0x4: {  	_ = 	snop  }
0x5: {  	_ = 	snop  }
0x6: {  	_ = 	snop  }
0x7: {  	_ = 	snop  }
__scs_overlays_trampoline_lowered:
0x8: {  	[smem:$0x3FA4] =	sst s0  }
0x9: {  	[smem:$0x3FA5] =	sst s1  }
0xa: {  	[smem:$0x3FA6] =	sst s2  }
0xb: {  	[smem:$0x3FA7] =	sst s3  }
0xc: {  	[smem:$0x3FA8] =	sst s4  }
0xd: {  	[smem:$0x3FA9] =	sst s5  }
0xe: {  	[smem:$0x3FAA] =	sst s6  }
0xf: {  	[smem:$0x3FAB] =	sst s7  }
0x10: {  	[smem:$0x3FAC] =	sst s8  }
0x11: {  	[smem:$0x3FAD] =	sst s9;
	s0 =	simm.s32 @!p0 $0x0  }
0x12: {  	s1 =	sld [smem:$0x3F93];
	s0 =	simm.s32 @p0 $0x1  }
0x13: {  	[smem:$0x3FAE] =	sst s0;
	s0 =	simm.s32 @!p1 $0x0  }
0x14: {  	s2 =	sld [smem:$0x3F92];
	s0 =	simm.s32 @p1 $0x1  }
0x15: {  	[smem:$0x3FAF] =	sst s0;
	s0 =	simm.s32 @!p2 $0x0  }
0x16: {  	s3 =	sld [smem:$0x3FDB];
	s0 =	simm.s32 @p2 $0x1  }
0x17: {  	s4 =	simm.s32 $0x1BF5;
	[smem:$0x3FB1] =	sst s0  }
0x18: {  	s0 =	sld [smem:$0x3F94];
	_ =	swait.ge [sflag:s4], $0x0  }
0x19: {  	s7 =	sld [smem:$0x3F95]  }
0x1a: {  	s8 =	sadd.s32 $0xFFFFE003, lr  }
0x1b: {  	s9 =	sadd.s32 $0xFFFFFEF7, lr;
	s5 =	simm.s32 $0xFFFFFFFF;
	p2 =	slt.u32 s8, $0xFFFFF086  }
0x1c: {  	p1 =	slt.u32 s9, $0xF7A;
	s5 =	simm.s32 @!p2 $0x0  }
0x1d: {  	s5 =	simm.s32 @p1 $0x1;
	p0 =	seq.s32 s7, s2  }
0x1e: {  	s7 =	smul.u32 @!p0 $0xF7A, s2;
	p2 =	seq.s32 @!p0 s5, $0x0  }
0x1f: {  	s9 =	smul.u32 $0xF7A, s1;
	s8 =	simm.s32 @!p0 $0x1BF5;
	p2 =	por !p2, p0  }
0x20: {  	[sflag:s8] =	ssyncset.s32 @!p0 $0xFFFFF086;
	s6 =	sadd.s32 @!p0 s3, s7;
	s7 =	simm.s32 @!p0 $0x108  }
0x21: {  	s3 =	sadd.s32 s3, s9;
	s6 =	sadd.s32 @!p0 $0x88, s6;
	s7 =	simm.s32 @p2 $0x1082  }
0x22: {  	[simem:s7], [sflag:s8] =	dma.local @!p0 [hbm:s6], $0xF7A  }
0x23: {  	s9 =	sor.u32 $0xD0000000, s2;
	s6 =	simm.s32 $0x108;
	_ =	swait.ge @!p0 [sflag:s8], $0x0  }
0x24: {  	s3 =	sadd.s32 $0x88, s3;
	s6 =	simm.s32 @!p1 $0x1082;
	[sflag:s4] =	ssyncset.s32 $0xFFFFF086  }
0x25: {  	[simem:s6], [sflag:s4] =	dma.local [hbm:s3], $0xF7A  }
0x26: {  	[smem:$0x3F95] =	sst s1;
	(tag) =	ssettag s2;
	_ =	strace s9  }
0x27: {  	s1 =	sld [smem:$0x3FA5]  }
0x28: {  	s2 =	sld [smem:$0x3FA6]  }
0x29: {  	s4 =	sld [smem:$0x3FA8]  }
0x2a: {  	p0 =	seq.s32 s5, $0x0;
	s5 =	sld [smem:$0x3FA9]  }
0x2b: {  	s6 =	sld [smem:$0x3FAA]  }
0x2c: {  	s7 =	sld [smem:$0x3FAB]  }
0x2d: {  	s3 =	simm.s32 $0x108;
	s8 =	sld [smem:$0x3FAC]  }
0x2e: {  	s3 =	simm.s32 @!p0 $0x1082;
	s9 =	sld [smem:$0x3FAD]  }
0x2f: {  	lr =	sadd.s32 s0, s3;
	s0 =	sld [smem:$0x3FA4]  }
0x30: {  	s3 =	sld [smem:$0x3FA7]  }
0x31: {  	[smem:$0x3FB0] =	sst s10  }
0x32: {  	s10 =	sld [smem:$0x3FAE];
	_ =	sdelay $0x3  }
0x33: {  	p0 =	seq.s32 s10, $0x1;
	s10 =	sld [smem:$0x3FB0];
	_ =	sdelay $0x3  }
0x34: {  	[smem:$0x3FB0] =	sst s10  }
0x35: {  	s10 =	sld [smem:$0x3FAF];
	_ =	sdelay $0x3  }
0x36: {  	p1 =	seq.s32 s10, $0x1;
	s10 =	sld [smem:$0x3FB0];
	_ =	sdelay $0x3  }
0x37: {  	[smem:$0x3FB0] =	sst s10  }
0x38: {  	s10 =	sld [smem:$0x3FB1]  }
0x39: {  	_ = 	snop;
	(pc) =	sbr.ind lr, $3  }
0x3a: {  	_ = 	snop  }
0x3b: {  	_ = 	snop  }
0x3c: {  	p2 =	seq.s32 s10, $0x1;
	s10 =	sld [smem:$0x3FB0]  }
0x3d: {  	_ =	shalt  }
0x3e: {  	_ =	shalt  }
0x3f: {  	_ =	shalt  }
0x40: {  	_ =	shalt  }
0x41: {  	_ =	shalt  }
0x42: {  	_ =	shalt  }
0x43: {  	_ =	shalt  }
0x44: {  	_ =	shalt  }
0x45: {  	_ =	shalt  }
0x46: {  	_ =	shalt  }
0x47: {  	_ =	shalt  }
0x48: {  	_ =	shalt  }
0x49: {  	_ =	shalt  }
0x4a: {  	_ =	shalt  }
0x4b: {  	_ =	shalt  }
0x4c: {  	_ =	shalt  }
0x4d: {  	_ =	shalt  }
0x4e: {  	_ =	shalt  }
0x4f: {  	_ =	shalt  }
0x50: {  	_ =	shalt  }
0x51: {  	_ =	shalt  }
0x52: {  	_ =	shalt  }
0x53: {  	_ =	shalt  }
0x54: {  	_ =	shalt  }
0x55: {  	_ =	shalt  }
0x56: {  	_ =	shalt  }
0x57: {  	_ =	shalt  }
0x58: {  	_ =	shalt  }
0x59: {  	_ =	shalt  }
0x5a: {  	_ =	shalt  }
0x5b: {  	_ =	shalt  }
0x5c: {  	_ =	shalt  }
0x5d: {  	_ =	shalt  }
0x5e: {  	_ =	shalt  }
0x5f: {  	_ =	shalt  }
0x60: {  	_ =	shalt  }
0x61: {  	_ =	shalt  }
0x62: {  	_ =	shalt  }
0x63: {  	_ =	shalt  }
0x64: {  	_ =	shalt  }
0x65: {  	_ =	shalt  }
0x66: {  	_ =	shalt  }
0x67: {  	_ =	shalt  }
0x68: {  	_ =	shalt  }
0x69: {  	_ =	shalt  }
0x6a: {  	_ =	shalt  }
0x6b: {  	_ =	shalt  }
0x6c: {  	_ =	shalt  }
0x6d: {  	_ =	shalt  }
0x6e: {  	_ =	shalt  }
0x6f: {  	_ =	shalt  }
0x70: {  	_ =	shalt  }
0x71: {  	_ =	shalt  }
0x72: {  	_ =	shalt  }
0x73: {  	_ =	shalt  }
0x74: {  	_ =	shalt  }
0x75: {  	_ =	shalt  }
0x76: {  	_ =	shalt  }
0x77: {  	_ =	shalt  }
0x78: {  	_ =	shalt  }
0x79: {  	_ =	shalt  }
0x7a: {  	_ =	shalt  }
0x7b: {  	_ =	shalt  }
0x7c: {  	_ =	shalt  }
0x7d: {  	_ =	shalt  }
0x7e: {  	_ =	shalt  }
0x7f: {  	_ =	shalt  }
0x80: {  	_ =	shalt  }
0x81: {  	_ =	shalt  }
0x82: {  	_ =	shalt  }
0x83: {  	_ =	shalt  }
0x84: {  	_ =	shalt  }
0x85: {  	_ =	shalt  }
0x86: {  	_ =	shalt  }
0x87: {  	_ =	shalt  }
.Lfunc_end0:
.L_simem_size_0:
called_computation_lowered:
.L_overlay_start_0:
0x88: {  	s2 =	sld [smem:$0x3FD9]  }
0x89: {  	s3 =	sld [smem:$0x3FFE];
	_ =	sdelay $0x1  }
0x8a: {  	s1 =	srdreg.scid  }
0x8b: {  	s0 =	sand.u32 $0x1, s1  }
0x8c: {  	s14 =	sshll.u32 s0, $0xA;
	s2 =	sadd.s32 s3, s2  }
0x8d: {  	s2 =	sadd.s32 s2, s14  }
0x8e: {  	[smem:$0x3FBC] =	sst s2  }
0x8f: {  	_ = 	snop  }
0x90: {  	s2 =	sld [smem:$0x3FD0];
	_ =	sdelay $0x2  }
0x91: {  	s15 =	simm.s32 $0xA;
	s4 =	simm.s32 $0x10  }
0x92: {  	[smem:s4], [sflag:s15] =	dma.local [hbm:s2], $0x1  }
0x93: {  	_ =	swait.eq [sflag:s15], $0x1  }
0x94: {  	[sflag:s15] =	ssyncset.done $0x0  }
0x95: {  	[sflag:s15] =	ssyncadd.s32 $0xFFFFFFFF  }
0x96: {  	s16 =	sld [smem:$0x10];
	(tm) =	ssettm $0x1  }
0x97: {  	s17 =	sld [smem:$0x3FFB];
	_ =	sdelay $0x3  }
0x98: {  	_ =	strace s17  }
0x99: {  	s3 =	sld [smem:$0x3FFC];
	_ =	sdelay $0x3  }
0x9a: {  	_ =	strace s3  }
0x9b: {  	s3 =	sld [smem:$0x3FFD];
	_ =	sdelay $0x3  }
0x9c: {  	_ =	strace s3  }
0x9d: {  	_ =	strace $0x8FFFFFFF  }
0x9e: {  	s18 =	sld [smem:$0x3FDB];
	_ =	sdelay $0x1  }
0x9f: {  	s19 =	simm.s32 $_scs_section_size  }
0xa0: {  	s5 =	simm.s32 $_size__tile_overlayer_lowered;
	s6 =	simm.s32 $_tile_overlayer_lowered  }
0xa1: {  	s22 =	simm.s32 $0x1BFF;
	s21 =	sshll.u32 s6, $0x1;
	s3 =	sadd.s32 s19, s18  }
0xa2: {  	s7 =	simm.s32 $0x0;
	s20 =	sshll.u32 s5, $0x1;
	s5 =	sadd.s32 s21, s3  }
0xa3: {  	[timem:s7], [sflag:s22] =	dma.local [hbm:s5], s20  }
0xa4: {  	_ =	swait.ge [sflag:s22], s20  }
0xa5: {  	s4 =	ssub.s32 $0x0, s20;
	[sflag:s22] =	ssyncset.done $0x0  }
0xa6: {  	[sflag:s22] =	ssyncadd.s32 s4;
	_ =	sdelay $0x1  }
0xa7: {  	s23 =	simm.s32 $0x1B8B  }
0xa8: {  	_ =	swait.ge [sflag:s23], $0x1  }
0xa9: {  	[sflag:s23] =	ssyncset.done $0x0  }
0xaa: {  	s25 =	simm.s32 $0x1B8E;
	s24 =	sld [smem:$0x3FFE];
	[sflag:s23] =	ssyncadd.s32 $0xFFFFFFFF  }
0xab: {  	s26 =	simm.s32 $execute0_lowered;
	[smem:$0x3FD2] =	sst s25  }
0xac: {  	s5 =	sshll.u32 s26, $0x1;
	_ =	strace $0x80000046;
	[dreg:$0x1] =	wrdreg $0xFFFFFFFF  }
0xad: {  	s28 =	simm.s32 $_size_execute0_lowered;
	s3 =	sadd.s32 s3, s5;
	[dreg:$0x0] =	wrdreg $0x0  }
0xae: {  	s5 =	sshll.u32 s28, $0x1;
	[dreg:$0x2] =	wrdreg s3  }
0xaf: {  	[dreg:$0x3] =	wrdreg s5  }
0xb0: {  	[dreg:$0x4] =	wrdreg $0xC0  }
0xb1: {  	_ =	task [dreg:s7], $0x5FFFF  }
0xb2: {  	[dreg:$0x1] =	wrdreg $0xFFFFFFFF  }
0xb3: {  	[dreg:$0x0] =	wrdreg $0x60  }
0xb4: {  	[dreg:$0x2] =	wrdreg s24  }
0xb5: {  	[dreg:$0x3] =	wrdreg s16  }
0xb6: {  	[dreg:$0x4] =	wrdreg $0x9  }
0xb7: {  	_ =	task.clear_ibuf [dreg:s7], $0x5FFFF;
	_ =	strace $0x90000046  }
0xb8: {  	s29 =	simm.s32 $0x9;
	_ =	strace $0x80000048  }
0xb9: {  	_ =	swait.ge [sflag:s29], $0x1  }
0xba: {  	[sflag:s29] =	ssyncadd.s32 $0xFFFFFFFF  }
0xbb: {  	_ =	strace $0x90000048  }
0xbc: {  	_ =	sfence  }
0xbd: {  	s30 =	sld [smem:$0x0];
	_ =	sdelay $0x2  }
0xbe: {  	s31 =	sshll.u32 s1, $0xD;
	s1 =	sshrl.u32 s1, $0x2  }
0xbf: {  	s3 =	sand.u32 $0x4000, s31;
	s1 =	sadd.s32 s1, s30  }
0xc0: {  	s0 =	sor.u32 s3, s0;
	s1 =	sshll.u32 s1, $0x11  }
0xc1: {  	s0 =	sor.u32 s1, s0  }
0xc2: {  	s0 =	sadd.s32 $0x8F2B, s0  }
0xc3: {  	[sflag:s0] =	ssyncadd.remote.s32 $0x1  }
0xc4: {  	_ =	sfence.sel $0xFFFF  }
0xc5: {  	[dreg:$0x0] =	wrdreg $0xFFFFFFFF;
	(pc) =	sbr.abs _section_cstart, $3  }
0xc6: {  	[dreg:$0x1] =	wrdreg $0xFFFFFFFF  }
0xc7: {  	_ =	task.clear_ibuf [dreg:s7], $0x2FFFF;
	_ =	strace $0x9FFFFFFF  }
0xc8: {  	(tm) =	ssettm $0x7FFFFFFF  }
0xc9: {  	_ =	shalt  }
tec
execute0_lowered:
.L_overlay_start_1:
0x0: {  	(tag) =	ssettag $0x1  }
0x1: {  	s0 =	srdreg.scid  }
0x2: {  	s17 =	rddreg [dreg:$0x0];
	s2 =	stileid.u32  }
0x3: {  	s1 =	sand.u32 $0x1, s0;
	s4 =	sshll.u32 s2, $0xB;
	s2 =	simm.s32 $0x0  }
0x4: {  	s3 =	sshll.u32 s1, $0xA;
	[smem:$0x7FF] =	sst s2  }
0x5: {  	s11 =	rddreg [dreg:$0x1];
	s18 =	sor.u32 s3, s4;
	_ =	strace $0x80000047  }
0x6: {  	s0 =	sshrl.u32 s18, $0x3;
	s20 =	sor.u32 $0x80, s18;
	s23 =	sor.u32 $0x100, s18  }
0x7: {  	s25 =	sor.u32 $0x180, s18;
	s0 =	sadd.s32 s11, s0;
	s5 =	sshrl.u32 s20, $0x3  }
0x8: {  	s6 =	sshrl.u32 s23, $0x3;
	[dreg:$0x3] =	wrdreg s0;
	s0 =	sadd.s32 s11, s5  }
0x9: {  	s8 =	sshrl.u32 s25, $0x3;
	s7 =	sadd.s32 s11, s6;
	[dreg:$0x4] =	wrdreg s0  }
0xa: {  	s29 =	sor.u32 $0x280, s18;
	s9 =	sadd.s32 s11, s8;
	[dreg:$0x5] =	wrdreg s7  }
0xb: {  	s28 =	sor.u32 $0x200, s18;
	s12 =	sshrl.u32 s29, $0x3;
	[dreg:$0x6] =	wrdreg s9  }
0xc: {  	s10 =	sshrl.u32 s28, $0x3;
	s13 =	sadd.s32 s11, s12;
	s4 =	rddreg [dreg:$0x3]  }
0xd: {  	s0 =	sadd.s32 s11, s10;
	[dreg:$0x8] =	wrdreg s13  }
0xe: {  	s3 =	simm.s32 $0x7;
	[dreg:$0x7] =	wrdreg s0  }
0xf: {  	[tilespmem:s2], [sflag:$0x7] =	stream.linear.gather [hbm4b:s4+s2], $0x80, $0x38;
	[tilespmem:$0x18400] =	vst v63  }
0x10: {  	_ =	swait.ge [sflag:s3], $0x80  }
0x11: {  	[sflag:s3] =	ssyncset.done $0x0  }
0x12: {  	s4 =	simm.s32 $0x80;
	s14 =	rddreg [dreg:$0x4];
	[sflag:s3] =	ssyncadd.s32 $0xFFFFFF80  }
0x13: {  	[tilespmem:s4], [sflag:$0x7] =	stream.linear.gather [hbm4b:s14+s2], $0x80, $0x38;
	[tilespmem:$0x18400] =	vst v63  }
0x14: {  	_ =	swait.ge [sflag:s3], $0x80  }
0x15: {  	[sflag:s3] =	ssyncset.done $0x0  }
0x16: {  	s5 =	simm.s32 $0x100;
	s15 =	rddreg [dreg:$0x5];
	[sflag:s3] =	ssyncadd.s32 $0xFFFFFF80  }
0x17: {  	[tilespmem:s5], [sflag:$0x7] =	stream.linear.gather [hbm4b:s15+s2], $0x80, $0x38;
	[tilespmem:$0x18400] =	vst v63  }
0x18: {  	_ =	swait.ge [sflag:s3], $0x80  }
0x19: {  	[sflag:s3] =	ssyncset.done $0x0  }
0x1a: {  	s6 =	simm.s32 $0x180;
	s16 =	rddreg [dreg:$0x6];
	[sflag:s3] =	ssyncadd.s32 $0xFFFFFF80  }
0x1b: {  	[tilespmem:s6], [sflag:$0x7] =	stream.linear.gather [hbm4b:s16+s2], $0x80, $0x38;
	[tilespmem:$0x18400] =	vst v63  }
0x1c: {  	_ =	swait.ge [sflag:s3], $0x80  }
0x1d: {  	[sflag:s3] =	ssyncset.done $0x0  }
0x1e: {  	s7 =	simm.s32 $0x200;
	s19 =	rddreg [dreg:$0x7];
	[sflag:s3] =	ssyncadd.s32 $0xFFFFFF80  }
0x1f: {  	[tilespmem:s7], [sflag:$0x7] =	stream.linear.gather [hbm4b:s19+s2], $0x80, $0x38;
	[tilespmem:$0x18400] =	vst v63  }
0x20: {  	_ =	swait.ge [sflag:s3], $0x80  }
0x21: {  	[sflag:s3] =	ssyncset.done $0x0  }
0x22: {  	s8 =	simm.s32 $0x280;
	s21 =	rddreg [dreg:$0x8];
	[sflag:s3] =	ssyncadd.s32 $0xFFFFFF80  }
0x23: {  	[tilespmem:s8], [sflag:$0x7] =	stream.linear.gather [hbm4b:s21+s2], $0x80, $0x38;
	[tilespmem:$0x18400] =	vst v63  }
0x24: {  	s30 =	sor.u32 $0x300, s18;
	_ =	swait.ge [sflag:s3], $0x80  }
0x25: {  	s22 =	sshrl.u32 s30, $0x3;
	[sflag:s3] =	ssyncset.done $0x0  }
0x26: {  	s9 =	sadd.s32 s11, s22;
	s10 =	simm.s32 $0x300;
	[sflag:s3] =	ssyncadd.s32 $0xFFFFFF80  }
0x27: {  	[tilespmem:s10], [sflag:$0x7] =	stream.linear.gather [hbm4b:s9+s2], $0x80, $0x38;
	[tilespmem:$0x18400] =	vst v63  }
0x28: {  	s31 =	sor.u32 $0x380, s18;
	_ =	swait.ge [sflag:s3], $0x80  }
0x29: {  	s24 =	sshrl.u32 s31, $0x3;
	[sflag:s3] =	ssyncset.done $0x0  }
0x2a: {  	s12 =	simm.s32 $0x380;
	s11 =	sadd.s32 s11, s24;
	[sflag:s3] =	ssyncadd.s32 $0xFFFFFF80  }
0x2b: {  	[tilespmem:s12], [sflag:$0x7] =	stream.linear.gather [hbm4b:s11+s2], $0x80, $0x38;
	[tilespmem:$0x18400] =	vst v63  }
0x2c: {  	_ =	swait.ge [sflag:s3], $0x80  }
0x2d: {  	[sflag:s3] =	ssyncset.done $0x0  }
0x2e: {  	s13 =	sadd.s32 $0xE00, s17;
	s14 =	simm.s32 $0x400;
	[sflag:s3] =	ssyncadd.s32 $0xFFFFFF80  }
0x2f: {  	[tilespmem:s14], [sflag:$0x1] =	stream.indirect.gather [hbm4b:s13+s4], $0x100, s2, s4, $0xb8;
	[tilespmem:$0x18400] =	vst v63  }
0x30: {  	s15 =	simm.s32 $0x8400;
	s16 =	simm.s32 $0x1  }
0x31: {  	[tilespmem:s15], [sflag:$0x2] =	stream.indirect.gather [hbm4b:s13+s4], $0x100, s4, s4, $0xb8;
	[tilespmem:$0x18400] =	vst v63  }
0x32: {  	_ =	swait.ge [sflag:s16], $0x8000  }
0x33: {  	s26 =	sshll.u32 s18, $0x5;
	s0 =	sadd.s32 $0x21E00, s17;
	[sflag:s16] =	ssyncset.done $0x0  }
0x34: {  	s17 =	sadd.s32 s0, s26;
	[sflag:s16] =	ssyncadd.s32 $0xFFFF8000  }
0x35: {  	[hbm4b:s17+s2] =	stream.linear.scatter [tilespmem:s14], [sflag:$0x4], $0x8000, $0x38;
	[tilespmem:$0x18400] =	vst v63  }
0x36: {  	s18 =	simm.s32 $0x10400;
	s19 =	simm.s32 $0x2  }
0x37: {  	[tilespmem:s18], [sflag:$0x3] =	stream.indirect.gather [hbm4b:s13+s4], $0x100, s5, s4, $0xb8;
	[tilespmem:$0x18400] =	vst v63  }
0x38: {  	_ =	swait.ge [sflag:s19], $0x8000  }
0x39: {  	s20 =	sshll.u32 s20, $0x5;
	[sflag:s19] =	ssyncset.done $0x0  }
0x3a: {  	s20 =	sadd.s32 s0, s20;
	s21 =	simm.s32 $0x4;
	[sflag:s19] =	ssyncadd.s32 $0xFFFF8000  }
0x3b: {  	[hbm4b:s20+s2] =	stream.linear.scatter [tilespmem:s15], [sflag:$0x5], $0x8000, $0x38;
	[tilespmem:$0x18400] =	vst v63  }
0x3c: {  	_ =	swait.ge [sflag:s21], $0x8000  }
0x3d: {  	[sflag:s21] =	ssyncset.done $0x0  }
0x3e: {  	s22 =	simm.s32 $0x3;
	[sflag:s21] =	ssyncadd.s32 $0xFFFF8000  }
0x3f: {  	[tilespmem:s14], [sflag:$0x1] =	stream.indirect.gather [hbm4b:s13+s4], $0x100, s6, s4, $0xb8;
	[tilespmem:$0x18400] =	vst v63  }
0x40: {  	_ =	swait.ge [sflag:s22], $0x8000  }
0x41: {  	s23 =	sshll.u32 s23, $0x5;
	[sflag:s22] =	ssyncset.done $0x0  }
0x42: {  	s24 =	simm.s32 $0x5;
	s23 =	sadd.s32 s0, s23;
	[sflag:s22] =	ssyncadd.s32 $0xFFFF8000  }
0x43: {  	[hbm4b:s23+s2] =	stream.linear.scatter [tilespmem:s18], [sflag:$0x6], $0x8000, $0x38;
	[tilespmem:$0x18400] =	vst v63  }
0x44: {  	_ =	swait.ge [sflag:s24], $0x8000  }
0x45: {  	[sflag:s24] =	ssyncset.done $0x0  }
0x46: {  	[sflag:s24] =	ssyncadd.s32 $0xFFFF8000  }
0x47: {  	[tilespmem:s15], [sflag:$0x2] =	stream.indirect.gather [hbm4b:s13+s4], $0x100, s7, s4, $0xb8;
	[tilespmem:$0x18400] =	vst v63  }
0x48: {  	_ =	swait.ge [sflag:s16], $0x8000  }
0x49: {  	s25 =	sshll.u32 s25, $0x5;
	[sflag:s16] =	ssyncset.done $0x0  }
0x4a: {  	s25 =	sadd.s32 s0, s25;
	s26 =	simm.s32 $0x6;
	[sflag:s16] =	ssyncadd.s32 $0xFFFF8000  }
0x4b: {  	[hbm4b:s25+s2] =	stream.linear.scatter [tilespmem:s14], [sflag:$0x4], $0x8000, $0x38;
	[tilespmem:$0x18400] =	vst v63  }
0x4c: {  	_ =	swait.ge [sflag:s26], $0x8000  }
0x4d: {  	[sflag:s26] =	ssyncset.done $0x0  }
0x4e: {  	[sflag:s26] =	ssyncadd.s32 $0xFFFF8000  }
0x4f: {  	[tilespmem:s18], [sflag:$0x3] =	stream.indirect.gather [hbm4b:s13+s4], $0x100, s8, s4, $0xb8;
	[tilespmem:$0x18400] =	vst v63  }
0x50: {  	_ =	swait.ge [sflag:s19], $0x8000  }
0x51: {  	s28 =	sshll.u32 s28, $0x5;
	[sflag:s19] =	ssyncset.done $0x0  }
0x52: {  	s28 =	sadd.s32 s0, s28;
	[sflag:s19] =	ssyncadd.s32 $0xFFFF8000  }
0x53: {  	[hbm4b:s28+s2] =	stream.linear.scatter [tilespmem:s15], [sflag:$0x5], $0x8000, $0x38;
	[tilespmem:$0x18400] =	vst v63  }
0x54: {  	_ =	swait.ge [sflag:s21], $0x8000  }
0x55: {  	[sflag:s21] =	ssyncset.done $0x0  }
0x56: {  	[sflag:s21] =	ssyncadd.s32 $0xFFFF8000  }
0x57: {  	[tilespmem:s14], [sflag:$0x1] =	stream.indirect.gather [hbm4b:s13+s4], $0x100, s10, s4, $0xb8;
	[tilespmem:$0x18400] =	vst v63  }
0x58: {  	_ =	swait.ge [sflag:s22], $0x8000  }
0x59: {  	s29 =	sshll.u32 s29, $0x5;
	[sflag:s22] =	ssyncset.done $0x0  }
0x5a: {  	s29 =	sadd.s32 s0, s29;
	[sflag:s22] =	ssyncadd.s32 $0xFFFF8000  }
0x5b: {  	[hbm4b:s29+s2] =	stream.linear.scatter [tilespmem:s18], [sflag:$0x6], $0x8000, $0x38;
	[tilespmem:$0x18400] =	vst v63  }
0x5c: {  	_ =	swait.ge [sflag:s24], $0x8000  }
0x5d: {  	[sflag:s24] =	ssyncset.done $0x0  }
0x5e: {  	s30 =	sshll.u32 s30, $0x5;
	[sflag:s24] =	ssyncadd.s32 $0xFFFF8000  }
0x5f: {  	[tilespmem:s15], [sflag:$0x2] =	stream.indirect.gather [hbm4b:s13+s4], $0x100, s12, s4, $0xb8;
	[tilespmem:$0x18400] =	vst v63  }
0x60: {  	s31 =	sshll.u32 s31, $0x5;
	s30 =	sadd.s32 s0, s30;
	_ =	swait.ge [sflag:s16], $0x8000  }
0x61: {  	s31 =	sadd.s32 s0, s31;
	s0 =	ssub.s32 $0x2, s1;
	[sflag:s16] =	ssyncset.done $0x0  }
0x62: {  	s1 =	sshrl.u32 s0, $0x1;
	[sflag:s16] =	ssyncadd.s32 $0xFFFF8000  }
0x63: {  	[hbm4b:s30+s2] =	stream.linear.scatter [tilespmem:s14], [sflag:$0x4], $0x8000, $0x38;
	[tilespmem:$0x18400] =	vst v63  }
0x64: {  	s0 =	ssub.s32 s0, s1;
	_ =	swait.ge [sflag:s19], $0x8000  }
0x65: {  	s0 =	smax.u32 s0, $0x1;
	[sflag:s19] =	ssyncset.done $0x0  }
0x66: {  	p0 =	sne.s32 s0, $0x1;
	[sflag:s19] =	ssyncadd.s32 $0xFFFF8000  }
0x67: {  	[hbm4b:s31+s2] =	stream.linear.scatter [tilespmem:s15], [sflag:$0x5], $0x8000, $0x38;
	[tilespmem:$0x18400] =	vst v63  }
.Ltmp0:
0x68: {  	_ =	swait.ge [sflag:s21], $0x8000;
	(pc) =	sbr.rel @!p0 .LBB2_2-.Ltmp0, $4  }
0x69: {  	[sflag:s21] =	ssyncset.done $0x0  }
0x6a: {  	[sflag:s21] =	ssyncadd.s32 $0xFFFF8000  }
0x6b: {  	_ =	swait.ge [sflag:s24], $0x8000  }
0x6c: {  	s1 =	sadd.s32 $0xFFFFFFFF, s0;
	[sflag:s24] =	ssyncset.done $0x0  }
.LBB2_1:
0x6d: {  	s0 =	rddreg [dreg:$0x3];
	[sflag:s24] =	ssyncadd.s32 $0xFFFF8000  }
0x6e: {  	[tilespmem:s2], [sflag:$0x7] =	stream.linear.gather [hbm4b:s0+s2], $0x80, $0x38;
	[tilespmem:$0x18400] =	vst v63  }
0x6f: {  	_ =	swait.ge [sflag:s3], $0x80  }
0x70: {  	[sflag:s3] =	ssyncset.done $0x0  }
0x71: {  	s0 =	rddreg [dreg:$0x4];
	[sflag:s3] =	ssyncadd.s32 $0xFFFFFF80  }
0x72: {  	[tilespmem:s4], [sflag:$0x7] =	stream.linear.gather [hbm4b:s0+s2], $0x80, $0x38;
	[tilespmem:$0x18400] =	vst v63  }
0x73: {  	_ =	swait.ge [sflag:s3], $0x80  }
0x74: {  	[sflag:s3] =	ssyncset.done $0x0  }
0x75: {  	s0 =	rddreg [dreg:$0x5];
	[sflag:s3] =	ssyncadd.s32 $0xFFFFFF80  }
0x76: {  	[tilespmem:s5], [sflag:$0x7] =	stream.linear.gather [hbm4b:s0+s2], $0x80, $0x38;
	[tilespmem:$0x18400] =	vst v63  }
0x77: {  	_ =	swait.ge [sflag:s3], $0x80  }
0x78: {  	[sflag:s3] =	ssyncset.done $0x0  }
0x79: {  	s0 =	rddreg [dreg:$0x6];
	[sflag:s3] =	ssyncadd.s32 $0xFFFFFF80  }
0x7a: {  	[tilespmem:s6], [sflag:$0x7] =	stream.linear.gather [hbm4b:s0+s2], $0x80, $0x38;
	[tilespmem:$0x18400] =	vst v63  }
0x7b: {  	_ =	swait.ge [sflag:s3], $0x80  }
0x7c: {  	[sflag:s3] =	ssyncset.done $0x0  }
0x7d: {  	s0 =	rddreg [dreg:$0x7];
	[sflag:s3] =	ssyncadd.s32 $0xFFFFFF80  }
0x7e: {  	[tilespmem:s7], [sflag:$0x7] =	stream.linear.gather [hbm4b:s0+s2], $0x80, $0x38;
	[tilespmem:$0x18400] =	vst v63  }
0x7f: {  	_ =	swait.ge [sflag:s3], $0x80  }
0x80: {  	[sflag:s3] =	ssyncset.done $0x0  }
0x81: {  	s0 =	rddreg [dreg:$0x8];
	[sflag:s3] =	ssyncadd.s32 $0xFFFFFF80  }
0x82: {  	[tilespmem:s8], [sflag:$0x7] =	stream.linear.gather [hbm4b:s0+s2], $0x80, $0x38;
	[tilespmem:$0x18400] =	vst v63  }
0x83: {  	_ =	swait.ge [sflag:s3], $0x80  }
0x84: {  	[sflag:s3] =	ssyncset.done $0x0  }
0x85: {  	[sflag:s3] =	ssyncadd.s32 $0xFFFFFF80  }
0x86: {  	[tilespmem:s10], [sflag:$0x7] =	stream.linear.gather [hbm4b:s9+s2], $0x80, $0x38;
	[tilespmem:$0x18400] =	vst v63  }
0x87: {  	_ =	swait.ge [sflag:s3], $0x80  }
0x88: {  	[sflag:s3] =	ssyncset.done $0x0  }
0x89: {  	[sflag:s3] =	ssyncadd.s32 $0xFFFFFF80  }
0x8a: {  	[tilespmem:s12], [sflag:$0x7] =	stream.linear.gather [hbm4b:s11+s2], $0x80, $0x38;
	[tilespmem:$0x18400] =	vst v63  }
0x8b: {  	_ =	swait.ge [sflag:s3], $0x80  }
0x8c: {  	[sflag:s3] =	ssyncset.done $0x0  }
0x8d: {  	[sflag:s3] =	ssyncadd.s32 $0xFFFFFF80  }
0x8e: {  	[tilespmem:s14], [sflag:$0x1] =	stream.indirect.gather [hbm4b:s13+s4], $0x100, s2, s4, $0xb8;
	[tilespmem:$0x18400] =	vst v63  }
0x8f: {  	_ = 	snop  }
0x90: {  	[tilespmem:s15], [sflag:$0x2] =	stream.indirect.gather [hbm4b:s13+s4], $0x100, s4, s4, $0xb8;
	[tilespmem:$0x18400] =	vst v63  }
0x91: {  	_ =	swait.ge [sflag:s16], $0x8000  }
0x92: {  	[sflag:s16] =	ssyncset.done $0x0  }
0x93: {  	[sflag:s16] =	ssyncadd.s32 $0xFFFF8000  }
0x94: {  	[hbm4b:s17+s2] =	stream.linear.scatter [tilespmem:s14], [sflag:$0x4], $0x8000, $0x38;
	[tilespmem:$0x18400] =	vst v63  }
0x95: {  	_ = 	snop  }
0x96: {  	[tilespmem:s18], [sflag:$0x3] =	stream.indirect.gather [hbm4b:s13+s4], $0x100, s5, s4, $0xb8;
	[tilespmem:$0x18400] =	vst v63  }
0x97: {  	_ =	swait.ge [sflag:s19], $0x8000  }
0x98: {  	[sflag:s19] =	ssyncset.done $0x0  }
0x99: {  	[sflag:s19] =	ssyncadd.s32 $0xFFFF8000  }
0x9a: {  	[hbm4b:s20+s2] =	stream.linear.scatter [tilespmem:s15], [sflag:$0x5], $0x8000, $0x38;
	[tilespmem:$0x18400] =	vst v63  }
0x9b: {  	_ =	swait.ge [sflag:s21], $0x8000  }
0x9c: {  	[sflag:s21] =	ssyncset.done $0x0  }
0x9d: {  	[sflag:s21] =	ssyncadd.s32 $0xFFFF8000  }
0x9e: {  	[tilespmem:s14], [sflag:$0x1] =	stream.indirect.gather [hbm4b:s13+s4], $0x100, s6, s4, $0xb8;
	[tilespmem:$0x18400] =	vst v63  }
0x9f: {  	_ =	swait.ge [sflag:s22], $0x8000  }
0xa0: {  	[sflag:s22] =	ssyncset.done $0x0  }
0xa1: {  	[sflag:s22] =	ssyncadd.s32 $0xFFFF8000  }
0xa2: {  	[hbm4b:s23+s2] =	stream.linear.scatter [tilespmem:s18], [sflag:$0x6], $0x8000, $0x38;
	[tilespmem:$0x18400] =	vst v63  }
0xa3: {  	_ =	swait.ge [sflag:s24], $0x8000  }
0xa4: {  	[sflag:s24] =	ssyncset.done $0x0  }
0xa5: {  	[sflag:s24] =	ssyncadd.s32 $0xFFFF8000  }
0xa6: {  	[tilespmem:s15], [sflag:$0x2] =	stream.indirect.gather [hbm4b:s13+s4], $0x100, s7, s4, $0xb8;
	[tilespmem:$0x18400] =	vst v63  }
0xa7: {  	_ =	swait.ge [sflag:s16], $0x8000  }
0xa8: {  	[sflag:s16] =	ssyncset.done $0x0  }
0xa9: {  	[sflag:s16] =	ssyncadd.s32 $0xFFFF8000  }
0xaa: {  	[hbm4b:s25+s2] =	stream.linear.scatter [tilespmem:s14], [sflag:$0x4], $0x8000, $0x38;
	[tilespmem:$0x18400] =	vst v63  }
0xab: {  	_ =	swait.ge [sflag:s26], $0x8000  }
0xac: {  	[sflag:s26] =	ssyncset.done $0x0  }
0xad: {  	[sflag:s26] =	ssyncadd.s32 $0xFFFF8000  }
0xae: {  	[tilespmem:s18], [sflag:$0x3] =	stream.indirect.gather [hbm4b:s13+s4], $0x100, s8, s4, $0xb8;
	[tilespmem:$0x18400] =	vst v63  }
0xaf: {  	_ =	swait.ge [sflag:s19], $0x8000  }
0xb0: {  	[sflag:s19] =	ssyncset.done $0x0  }
0xb1: {  	[sflag:s19] =	ssyncadd.s32 $0xFFFF8000  }
0xb2: {  	[hbm4b:s28+s2] =	stream.linear.scatter [tilespmem:s15], [sflag:$0x5], $0x8000, $0x38;
	[tilespmem:$0x18400] =	vst v63  }
0xb3: {  	_ =	swait.ge [sflag:s21], $0x8000  }
0xb4: {  	[sflag:s21] =	ssyncset.done $0x0  }
0xb5: {  	[sflag:s21] =	ssyncadd.s32 $0xFFFF8000  }
0xb6: {  	[tilespmem:s14], [sflag:$0x1] =	stream.indirect.gather [hbm4b:s13+s4], $0x100, s10, s4, $0xb8;
	[tilespmem:$0x18400] =	vst v63  }
0xb7: {  	_ =	swait.ge [sflag:s22], $0x8000  }
0xb8: {  	[sflag:s22] =	ssyncset.done $0x0  }
0xb9: {  	[sflag:s22] =	ssyncadd.s32 $0xFFFF8000  }
0xba: {  	[hbm4b:s29+s2] =	stream.linear.scatter [tilespmem:s18], [sflag:$0x6], $0x8000, $0x38;
	[tilespmem:$0x18400] =	vst v63  }
0xbb: {  	_ =	swait.ge [sflag:s24], $0x8000  }
0xbc: {  	[sflag:s24] =	ssyncset.done $0x0  }
0xbd: {  	[sflag:s24] =	ssyncadd.s32 $0xFFFF8000  }
0xbe: {  	[tilespmem:s15], [sflag:$0x2] =	stream.indirect.gather [hbm4b:s13+s4], $0x100, s12, s4, $0xb8;
	[tilespmem:$0x18400] =	vst v63  }
0xbf: {  	_ =	swait.ge [sflag:s16], $0x8000  }
0xc0: {  	[sflag:s16] =	ssyncset.done $0x0  }
0xc1: {  	[sflag:s16] =	ssyncadd.s32 $0xFFFF8000  }
0xc2: {  	[hbm4b:s30+s2] =	stream.linear.scatter [tilespmem:s14], [sflag:$0x4], $0x8000, $0x38;
	[tilespmem:$0x18400] =	vst v63  }
0xc3: {  	_ =	swait.ge [sflag:s19], $0x8000  }
0xc4: {  	[sflag:s19] =	ssyncset.done $0x0  }
0xc5: {  	p0 =	sne.s32 s1, $0x1;
	[sflag:s19] =	ssyncadd.s32 $0xFFFF8000  }
0xc6: {  	[hbm4b:s31+s2] =	stream.linear.scatter [tilespmem:s15], [sflag:$0x5], $0x8000, $0x38;
	[tilespmem:$0x18400] =	vst v63  }
.Ltmp1:
0xc7: {  	_ =	swait.ge [sflag:s21], $0x8000;
	(pc) =	sbr.rel @p0 .LBB2_1-.Ltmp1, $4  }
0xc8: {  	[sflag:s21] =	ssyncset.done $0x0  }
0xc9: {  	[sflag:s21] =	ssyncadd.s32 $0xFFFF8000  }
0xca: {  	_ =	swait.ge [sflag:s24], $0x8000  }
0xcb: {  	s1 =	sadd.s32 $0xFFFFFFFF, s1;
	[sflag:s24] =	ssyncset.done $0x0  }
.LBB2_2:
0xcc: {  	[sflag:s24] =	ssyncadd.s32 $0xFFFF8000  }
0xcd: {  	_ =	sfence.sel $0x180000  }
0xce: {  	[bflag:$0x0] =	sbarrier.arrive $0xFFFF  }
0xcf: {  	_ =	strace $0x90000047  }
0xd0: {  	s0 =	stileid.u32;
	[bflag:$0x2] =	sbarrier.arrive $0xFFFF  }
0xd1: {  	p0 =	sne.s32 s0, $0x0;
	s0 =	rddreg [dreg:$0x2]  }
0xd2: {  	s0 =	sadd.s32 @!p0 $0x100000, s0  }
0xd3: {  	[sflag:s0] =	ssyncadd.tile.s32 @!p0 $0x1;
	_ =	shalt  }
.Lfunc_end2:
_tile_overlayer_lowered:
.L_overlay_start_2:
0xd4: {  	(tag) =	ssettag $0x2  }
0xd5: {  	s0 =	rddreg [dreg:$0x0];
	s2 =	stileid.u32  }
0xd6: {  	s1 =	rddreg [dreg:$0x1];
	p0 =	sne.s32 s2, $0x0  }
0xd7: {  	s3 =	rddreg [dreg:$0x2];
	[bflag:$0x3] =	sbarrier.arrive $0xFFFF;
	s2 =	simm.s32 @!p0 $0x1C07  }
0xd8: {  	[timem:s3], [sflag:s2] =	dma.local @!p0 [hbm:s0], s1  }
0xd9: {  	s0 =	simm.s32 @!p0 $0x7  }
0xda: {  	_ =	swait.ge @!p0 [sflag:s0], s1  }
0xdb: {  	s1 =	ssub.s32 @!p0 $0x0, s1;
	[sflag:s0] =	ssyncset.done @!p0 $0x0  }
0xdc: {  	[sflag:s0] =	ssyncadd.s32 @!p0 s1  }
0xdd: {  	[bflag:$0x3] =	sbarrier.arrive $0xFFFF  }
0xde: {  	_ =	shalt  }

</sc_bundles>
